<compile_context>
chip_gen: v7x
topology: tpu7x:2x2x1
jax: 0.10.2.dev20260603
libtpu: 0.0.44.dev20260713+nightly
codegen_flags: <defaults>
</compile_context>

<pallas_src>
import functools

import jax
import jax.numpy as jnp
from jax import lax
from jax.experimental import pallas as pl
from jax.experimental.pallas import tpu as pltpu
from jax.experimental.pallas import tpu_sc as plsc

_NUM_VARS = 100000
_NUM_LITS = 3200000
_NUM_CLAUSES = 1000000

_NC = 2
_NS = 16
_NW = _NC * _NS
_L = 16

_C = _NUM_LITS // _NW
_B = 2000
_NBLK = _C // _B
_VPB = _B // _L

_F32_INF = float("inf")


def _vgather(x, idx):
    dnums = lax.GatherDimensionNumbers(
        offset_dims=(), collapsed_slice_dims=(0,), start_index_map=(0,))
    return lax.gather(x, idx[:, None], dnums, slice_sizes=(1,),
                      mode=lax.GatherScatterMode.PROMISE_IN_BOUNDS)


def _sc_body(inp_hbm, vars_hbm, pos_hbm, seg_hbm,
             rmin_out, hm_out, pm_out, pc_out,
             table_v, vars_v, pos_v, seg_v, vars_w, pos_w, seg_w,
             prev_v, st_f, st_i, sem0, sem1):
    wid = lax.axis_index("s") * _NC + lax.axis_index("c")
    base = wid * _C

    def issue(j, bufs, sem):
        start = pl.multiple_of(base + j * _B, 8)
        pltpu.make_async_copy(vars_hbm.at[pl.ds(start, _B)], bufs[0], sem).start()
        pltpu.make_async_copy(pos_hbm.at[pl.ds(start, _B)], bufs[1], sem).start()
        pltpu.make_async_copy(seg_hbm.at[pl.ds(start, _B)], bufs[2], sem).start()

    def drain(bufs, sem):
        pltpu.make_async_copy(vars_hbm.at[pl.ds(0, _B)], bufs[0], sem).wait()
        pltpu.make_async_copy(pos_hbm.at[pl.ds(0, _B)], bufs[1], sem).wait()
        pltpu.make_async_copy(seg_hbm.at[pl.ds(0, _B)], bufs[2], sem).wait()

    bufs0 = (vars_v, pos_v, seg_v)
    bufs1 = (vars_w, pos_w, seg_w)

    issue(0, bufs0, sem0)

    pltpu.sync_copy(inp_hbm, table_v)

    poff = pl.multiple_of(jnp.maximum(base - _L, 0), 8)
    pltpu.sync_copy(seg_hbm.at[pl.ds(poff, _L)], prev_v)

    iota = lax.iota(jnp.int32, _L)
    zero_i = jnp.full((_L,), 0, jnp.int32)
    one_i = jnp.full((_L,), 1, jnp.int32)
    idx1 = jnp.maximum(iota - one_i, zero_i)
    idxp1 = jnp.minimum(iota + one_i, jnp.full((_L,), _L - 1, jnp.int32))
    c15 = jnp.full((_L,), _L - 1, jnp.int32)
    ind0 = iota == zero_i

    widv = jnp.broadcast_to(wid, (_L,)).astype(jnp.int32)
    pc0 = jnp.where(widv == zero_i, jnp.full((_L,), -1, jnp.int32),
                    _vgather(prev_v[...], c15))

    inf = jnp.full((_L,), _F32_INF)
    ninf = -inf
    half = jnp.full((_L,), 0.5, jnp.float32)
    one = jnp.full((_L,), 1.0, jnp.float32)
    two = jnp.full((_L,), 2.0, jnp.float32)
    zero = jnp.full((_L,), 0.0, jnp.float32)

    def make_vreg_step(bufs):
      vb, pb, sb = bufs

      def vreg_step(i, carry):
        pc, pm, rminv, hmv = carry
        sl = pl.ds(i * _L, _L)
        v = vb[sl]
        p = pb[sl]
        s = sb[sl]
        tv = plsc.load_gather(table_v, [v])
        f = jnp.where(p == one_i, tv, one - tv)

        sprev = jnp.where(ind0, pc, _vgather(s, idx1))
        d = s - sprev
        b = d != zero_i

        r = plsc.cumsum(jnp.where(b, two, zero))
        cm = plsc.cummax(r + f)
        scan = cm - r

        m = s == pc
        scan = jnp.where(m, jnp.maximum(scan, pm), scan)

        mh = s == pc0
        hmv = jnp.maximum(hmv, jnp.where(mh, f, ninf))

        snext = _vgather(s, idxp1)
        e = s != snext
        cand = jnp.where(e, scan, inf)
        cand2 = jnp.where(ind0 & b, pm, inf)
        cand = jnp.where(d > one_i, zero, cand)

        rminv = jnp.minimum(rminv, jnp.minimum(cand, cand2))

        pc_n = _vgather(s, c15)
        pm_n = _vgather(scan, c15)
        return pc_n, pm_n, rminv, hmv

      return vreg_step

    step0 = make_vreg_step(bufs0)
    step1 = make_vreg_step(bufs1)

    def pair_step(t, carry):
        issue(2 * t + 1, bufs1, sem1)
        drain(bufs0, sem0)
        carry = lax.fori_loop(0, _VPB, step0, carry)

        @pl.when(t < _NBLK // 2 - 1)
        def _():
            issue(2 * t + 2, bufs0, sem0)

        drain(bufs1, sem1)
        return lax.fori_loop(0, _VPB, step1, carry)

    init = (pc0, inf, inf, ninf)
    pc, pm, rminv, hmv = lax.fori_loop(0, _NBLK // 2, pair_step, init)

    st_f[...] = rminv
    pltpu.sync_copy(st_f, rmin_out.at[wid])
    st_f[...] = hmv
    pltpu.sync_copy(st_f, hm_out.at[wid])
    st_f[...] = pm
    pltpu.sync_copy(st_f, pm_out.at[wid])
    st_i[...] = pc
    pltpu.sync_copy(st_i, pc_out.at[wid])


@jax.jit
def kernel(input, lit_vars, lit_pos, segment_ids):
    mesh = plsc.VectorSubcoreMesh(core_axis_name="c", subcore_axis_name="s",
                                  num_cores=_NC, num_subcores=_NS)
    f32 = jnp.float32
    run = pl.kernel(
        _sc_body,
        out_type=[
            jax.ShapeDtypeStruct((_NW, _L), f32),
            jax.ShapeDtypeStruct((_NW, _L), f32),
            jax.ShapeDtypeStruct((_NW, _L), f32),
            jax.ShapeDtypeStruct((_NW, _L), jnp.int32),
        ],
        mesh=mesh,
        compiler_params=pltpu.CompilerParams(needs_layout_passes=False),
        scratch_types=[
            pltpu.VMEM((_NUM_VARS,), f32),
            pltpu.VMEM((_B,), jnp.int32),
            pltpu.VMEM((_B,), jnp.int32),
            pltpu.VMEM((_B,), jnp.int32),
            pltpu.VMEM((_B,), jnp.int32),
            pltpu.VMEM((_B,), jnp.int32),
            pltpu.VMEM((_B,), jnp.int32),
            pltpu.VMEM((_L,), jnp.int32),
            pltpu.VMEM((_L,), f32),
            pltpu.VMEM((_L,), jnp.int32),
            pltpu.SemaphoreType.DMA,
            pltpu.SemaphoreType.DMA,
        ],
    )
    rmin_a, hm_a, pm_a, pc_a = run(input, lit_vars, lit_pos, segment_ids)

    rmin_w = jnp.min(rmin_a, axis=1)
    hm_w = jnp.max(hm_a, axis=1)
    pm_w = pm_a[:, 0]
    pc_w = pc_a[:, 0]

    inf = _F32_INF
    gmin = inf
    cur_seg = jnp.int32(-1)
    cur_max = -inf
    for w in range(_NW):
        run_val = jnp.maximum(cur_max, hm_w[w])
        ended = pc_w[w] != cur_seg
        cand = jnp.where((cur_seg >= 0) & ended, run_val, inf)
        gmin = jnp.minimum(gmin, jnp.minimum(cand, rmin_w[w]))
        cur_max = jnp.where(ended, pm_w[w], run_val)
        cur_seg = pc_w[w]
    gmin = jnp.minimum(gmin, cur_max)
    gmin = jnp.where(pc_w[_NW - 1] < _NUM_CLAUSES - 1, jnp.float32(0.0), gmin)
    return gmin

# --- scband reference (transcript-rebuilt; emitter-appended) ---
"""Pipeline reference for scband-fuzzy-cnfdiscriminator-53730040873552 (READ-ONLY COPY).

The authoritative reference and input builder live on the scoring server;
editing this copy changes nothing except your own understanding.
"""

import jax, jax.numpy as jnp
import numpy as np

NUM_VARS = 100000
NUM_LITS = 3200000
NUM_CLAUSES = 1000000


def setup_inputs(seed: int = 0) -> dict:
    key = jax.random.key(seed)
    k1, k2, k3, k4 = jax.random.split(key, 4)
    # fuzzy truth assignment for each variable, in [0, 1]
    inp = jax.random.uniform(k1, (NUM_VARS,), dtype=jnp.float32)
    # flattened CNF: variable index of each literal occurrence
    lit_vars = jax.random.randint(k2, (NUM_LITS,), 0, NUM_VARS, dtype=jnp.int32)
    # polarity of each literal: 1 -> positive literal, 0 -> negated literal
    lit_pos = jax.random.randint(k3, (NUM_LITS,), 0, 2, dtype=jnp.int32)
    # clause id of each literal occurrence (sorted, as in CSR clause layout)
    segment_ids = jnp.sort(jax.random.randint(k4, (NUM_LITS,), 0, NUM_CLAUSES, dtype=jnp.int32))
    return {"input": inp, "lit_vars": lit_vars, "lit_pos": lit_pos, "segment_ids": segment_ids}


def reference(input, lit_vars, lit_pos, segment_ids):
    # Goedel fuzzy relaxation:
    #   negation(x)   = 1 - x
    #   disjunction   = max  (sequential max over clause literals == segment_max)
    #   conjunction   = min  (sequential min over clauses == global min)
    # gather variable truth values for each literal occurrence
    lit_vals = jnp.take(input, lit_vars, axis=0)
    fuzzy = jnp.where(lit_pos == 1, lit_vals, 1.0 - lit_vals)
    # per-clause disjunction via segment max
    clause_vals = jax.ops.segment_max(fuzzy, segment_ids, num_segments=NUM_CLAUSES, indices_are_sorted=True)
    # empty clauses (no literals) evaluate to fuzzy-false = 0 (segment_max init is -inf)
    clause_vals = jnp.maximum(clause_vals, 0.0)
    # formula conjunction via min over clause values
    formula_value = jnp.min(clause_vals)
    return formula_value

if __name__ == "__main__":
    import jax
    _d = setup_inputs()
    print(jax.jit(kernel)(*tuple(_d.values())))

</pallas_src>

<mosaic_0001>
#map = affine_map<(d0, d1) -> (0)>
#map1 = affine_map<(d0, d1) -> (0, 0)>
module attributes {stable_mosaic.version = 14 : i64} {
  func.func @_sc_body(%arg0: i32, %arg1: i32, %arg2: memref<100000xf32, #tpu.memory_space<hbm>>, %arg3: memref<3200000xi32, #tpu.memory_space<hbm>>, %arg4: memref<3200000xi32, #tpu.memory_space<hbm>>, %arg5: memref<3200000xi32, #tpu.memory_space<hbm>>, %arg6: memref<32x16xf32, #tpu.memory_space<hbm>>, %arg7: memref<32x16xf32, #tpu.memory_space<hbm>>, %arg8: memref<32x16xf32, #tpu.memory_space<hbm>>, %arg9: memref<32x16xi32, #tpu.memory_space<hbm>>, %arg10: memref<100000xf32, #tpu.memory_space<vmem>>, %arg11: memref<2000xi32, #tpu.memory_space<vmem>>, %arg12: memref<2000xi32, #tpu.memory_space<vmem>>, %arg13: memref<2000xi32, #tpu.memory_space<vmem>>, %arg14: memref<2000xi32, #tpu.memory_space<vmem>>, %arg15: memref<2000xi32, #tpu.memory_space<vmem>>, %arg16: memref<2000xi32, #tpu.memory_space<vmem>>, %arg17: memref<16xi32, #tpu.memory_space<vmem>>, %arg18: memref<16xf32, #tpu.memory_space<vmem>>, %arg19: memref<16xi32, #tpu.memory_space<vmem>>, %arg20: memref<!tpu.dma_semaphore, #tpu.memory_space<semaphore_mem>>, %arg21: memref<!tpu.dma_semaphore, #tpu.memory_space<semaphore_mem>>) attributes {dimension_semantics = [#tpu.dimension_semantics<core_parallel>, #tpu.dimension_semantics<subcore_parallel>], iteration_bounds = array<i64: 2, 16>, scalar_prefetch = 0 : i64, scratch_operands = 12 : i64, tpu.core_type = #tpu.core_type<sc_vector_subcore>, window_params = [{transform_indices = #map}, {transform_indices = #map}, {transform_indices = #map}, {transform_indices = #map}, {transform_indices = #map1}, {transform_indices = #map1}, {transform_indices = #map1}, {transform_indices = #map1}]} {
    %mul3A = arith.constant 2 : i32
    %mul3A_0 = arith.muli %arg1, %mul3A : i32
    %add3A = arith.addi %mul3A_0, %arg0 : i32
    %mul3A_1 = arith.constant 100000 : i32
    %mul3A_2 = arith.muli %add3A, %mul3A_1 : i32
    %add3A_3 = arith.constant 0 : i32
    %add3A_4 = arith.addi %mul3A_2, %add3A_3 : i32
    %multiple_of3A = tpu.assume_multiple %add3A_4, 8 : i32
    %dma_start3A = tpu.memref_slice %arg3[%multiple_of3A] : memref<3200000xi32, #tpu.memory_space<hbm>> -> memref<2000xi32, #tpu.memory_space<hbm>>
    %dma_start3A_5 = tpu.memref_slice %arg3[%multiple_of3A] : memref<3200000xi32, #tpu.memory_space<hbm>> -> memref<2000xi32, #tpu.memory_space<hbm>>
    tpu.enqueue_dma source(%dma_start3A_5 : memref<2000xi32, #tpu.memory_space<hbm>>) target(%arg11 : memref<2000xi32, #tpu.memory_space<vmem>>) target_semaphore(%arg20 : memref<!tpu.dma_semaphore, #tpu.memory_space<semaphore_mem>>)
    %dma_start3A_6 = tpu.memref_slice %arg4[%multiple_of3A] : memref<3200000xi32, #tpu.memory_space<hbm>> -> memref<2000xi32, #tpu.memory_space<hbm>>
    %dma_start3A_7 = tpu.memref_slice %arg4[%multiple_of3A] : memref<3200000xi32, #tpu.memory_space<hbm>> -> memref<2000xi32, #tpu.memory_space<hbm>>
    tpu.enqueue_dma source(%dma_start3A_7 : memref<2000xi32, #tpu.memory_space<hbm>>) target(%arg12 : memref<2000xi32, #tpu.memory_space<vmem>>) target_semaphore(%arg20 : memref<!tpu.dma_semaphore, #tpu.memory_space<semaphore_mem>>)
    %dma_start3A_8 = tpu.memref_slice %arg5[%multiple_of3A] : memref<3200000xi32, #tpu.memory_space<hbm>> -> memref<2000xi32, #tpu.memory_space<hbm>>
    %dma_start3A_9 = tpu.memref_slice %arg5[%multiple_of3A] : memref<3200000xi32, #tpu.memory_space<hbm>> -> memref<2000xi32, #tpu.memory_space<hbm>>
    tpu.enqueue_dma source(%dma_start3A_9 : memref<2000xi32, #tpu.memory_space<hbm>>) target(%arg13 : memref<2000xi32, #tpu.memory_space<vmem>>) target_semaphore(%arg20 : memref<!tpu.dma_semaphore, #tpu.memory_space<semaphore_mem>>)
    "tpu.region"() ({
      %run_scoped3A = tpu.sem_alloc : memref<!tpu.dma_semaphore, #tpu.memory_space<semaphore_mem>>
      tpu.enqueue_dma source(%arg2 : memref<100000xf32, #tpu.memory_space<hbm>>) target(%arg10 : memref<100000xf32, #tpu.memory_space<vmem>>) target_semaphore(%run_scoped3A : memref<!tpu.dma_semaphore, #tpu.memory_space<semaphore_mem>>)
      tpu.wait_dma2 semaphore(%run_scoped3A : memref<!tpu.dma_semaphore, #tpu.memory_space<semaphore_mem>>) src(%arg2 : memref<100000xf32, #tpu.memory_space<hbm>>) dst(%arg10 : memref<100000xf32, #tpu.memory_space<vmem>>)
      tpu.yield
    }) : () -> ()
    %sub3A = arith.constant 16 : i32
    %sub3A_10 = arith.subi %mul3A_2, %sub3A : i32
    %max3A = arith.constant 0 : i32
    %max3A_11 = arith.maxsi %sub3A_10, %max3A : i32
    %multiple_of3A_12 = tpu.assume_multiple %max3A_11, 8 : i32
    "tpu.region"() ({
      %run_scoped3A = tpu.sem_alloc : memref<!tpu.dma_semaphore, #tpu.memory_space<semaphore_mem>>
      %dma_start3A_54 = tpu.memref_slice %arg5[%multiple_of3A_12] : memref<3200000xi32, #tpu.memory_space<hbm>> -> memref<16xi32, #tpu.memory_space<hbm>>
      %dma_start3A_55 = tpu.memref_slice %arg5[%multiple_of3A_12] : memref<3200000xi32, #tpu.memory_space<hbm>> -> memref<16xi32, #tpu.memory_space<hbm>>
      tpu.enqueue_dma source(%dma_start3A_55 : memref<16xi32, #tpu.memory_space<hbm>>) target(%arg17 : memref<16xi32, #tpu.memory_space<vmem>>) target_semaphore(%run_scoped3A : memref<!tpu.dma_semaphore, #tpu.memory_space<semaphore_mem>>)
      %dma_wait3A = tpu.memref_slice %arg5[%multiple_of3A_12] : memref<3200000xi32, #tpu.memory_space<hbm>> -> memref<16xi32, #tpu.memory_space<hbm>>
      %dma_wait3A_56 = tpu.memref_slice %arg5[%multiple_of3A_12] : memref<3200000xi32, #tpu.memory_space<hbm>> -> memref<16xi32, #tpu.memory_space<hbm>>
      tpu.wait_dma2 semaphore(%run_scoped3A : memref<!tpu.dma_semaphore, #tpu.memory_space<semaphore_mem>>) src(%dma_wait3A_56 : memref<16xi32, #tpu.memory_space<hbm>>) dst(%arg17 : memref<16xi32, #tpu.memory_space<vmem>>)
      tpu.yield
    }) : () -> ()
    %iota3A = tpu.iota {dimensions = array<i32: 0>} : vector<16xi32>
    %broadcast_in_dim3A = arith.constant 0 : i32
    %broadcast_in_dim3A_13 = vector.broadcast %broadcast_in_dim3A : i32 to vector<16xi32>
    %broadcast_in_dim3A_14 = arith.constant 1 : i32
    %broadcast_in_dim3A_15 = vector.broadcast %broadcast_in_dim3A_14 : i32 to vector<16xi32>
    %sub3A_16 = arith.subi %iota3A, %broadcast_in_dim3A_15 : vector<16xi32>
    %max3A_17 = arith.maxsi %sub3A_16, %broadcast_in_dim3A_13 : vector<16xi32>
    %add3A_18 = arith.addi %iota3A, %broadcast_in_dim3A_15 : vector<16xi32>
    %broadcast_in_dim3A_19 = arith.constant 15 : i32
    %broadcast_in_dim3A_20 = vector.broadcast %broadcast_in_dim3A_19 : i32 to vector<16xi32>
    %min3A = arith.minsi %add3A_18, %broadcast_in_dim3A_20 : vector<16xi32>
    %broadcast_in_dim3A_21 = arith.constant 15 : i32
    %broadcast_in_dim3A_22 = vector.broadcast %broadcast_in_dim3A_21 : i32 to vector<16xi32>
    %eq3A = arith.cmpi eq, %iota3A, %broadcast_in_dim3A_13 : vector<16xi32>
    %broadcast_in_dim3A_23 = vector.broadcast %add3A : i32 to vector<16xi32>
    %eq3A_24 = arith.cmpi eq, %broadcast_in_dim3A_23, %broadcast_in_dim3A_13 : vector<16xi32>
    %broadcast_in_dim3A_25 = arith.constant -1 : i32
    %broadcast_in_dim3A_26 = vector.broadcast %broadcast_in_dim3A_25 : i32 to vector<16xi32>
    %get3A = arith.constant 0 : index
    %get3A_27 = tpu.vector_load %arg17[%get3A] {strides = array<i32>} : memref<16xi32, #tpu.memory_space<vmem>>, vector<16xi32>,
    %broadcast_in_dim3A_28 = vector.shape_cast %broadcast_in_dim3A_22 : vector<16xi32> to vector<16x1xi32>
    %gather3A = vector.shape_cast %broadcast_in_dim3A_28 : vector<16x1xi32> to vector<16xi32>
    %gather3A_29 = tpu.dynamic_gather %get3A_27[%gather3A] in [0] : vector<16xi32>, vector<16xi32> -> vector<16xi32>
    %select_n3A = arith.select %eq3A_24, %broadcast_in_dim3A_26, %gather3A_29 : vector<16xi1>, vector<16xi32>
    %broadcast_in_dim3A_30 = arith.constant 0x7F800000 : f32
    %broadcast_in_dim3A_31 = vector.broadcast %broadcast_in_dim3A_30 : f32 to vector<16xf32>
    %neg3A = arith.constant 0.000000e+00 : f32
    %neg3A_32 = vector.broadcast %neg3A : f32 to vector<16xf32>
    %neg3A_33 = arith.subf %neg3A_32, %broadcast_in_dim3A_31 : vector<16xf32>
    %broadcast_in_dim3A_34 = arith.constant 5.000000e-01 : f32
    %broadcast_in_dim3A_35 = vector.broadcast %broadcast_in_dim3A_34 : f32 to vector<16xf32>
    %broadcast_in_dim3A_36 = arith.constant 1.000000e+00 : f32
    %broadcast_in_dim3A_37 = vector.broadcast %broadcast_in_dim3A_36 : f32 to vector<16xf32>
    %broadcast_in_dim3A_38 = arith.constant 2.000000e+00 : f32
    %broadcast_in_dim3A_39 = vector.broadcast %broadcast_in_dim3A_38 : f32 to vector<16xf32>
    %broadcast_in_dim3A_40 = arith.constant 0.000000e+00 : f32
    %broadcast_in_dim3A_41 = vector.broadcast %broadcast_in_dim3A_40 : f32 to vector<16xf32>
    %scan3A = arith.constant 0 : i32
    %scan3A_42 = arith.constant 25 : i32
    %scan3A_43 = arith.addi %scan3A, %scan3A_42 : i32
    %scan3A_44 = arith.constant 1 : i32
    %scan3A_45:4 = scf.for %scan3A_54 = %scan3A to %scan3A_43 step %scan3A_44 iter_args(%scan3A_55 = %select_n3A, %scan3A_56 = %broadcast_in_dim3A_31, %scan3A_57 = %broadcast_in_dim3A_31, %scan3A_58 = %neg3A_33) -> (vector<16xi32>, vector<16xf32>, vector<16xf32>, vector<16xf32>)  : i32 {
      %mul3A_59 = arith.constant 2 : i32
      %mul3A_60 = arith.muli %mul3A_59, %scan3A_54 : i32
      %add3A_61 = arith.constant 1 : i32
      %add3A_62 = arith.addi %mul3A_60, %add3A_61 : i32
      %mul3A_63 = arith.constant 2000 : i32
      %mul3A_64 = arith.muli %add3A_62, %mul3A_63 : i32
      %add3A_65 = arith.addi %mul3A_2, %mul3A_64 : i32
      %multiple_of3A_66 = tpu.assume_multiple %add3A_65, 8 : i32
      %dma_start3A_67 = tpu.memref_slice %arg3[%multiple_of3A_66] : memref<3200000xi32, #tpu.memory_space<hbm>> -> memref<2000xi32, #tpu.memory_space<hbm>>
      %dma_start3A_68 = tpu.memref_slice %arg3[%multiple_of3A_66] : memref<3200000xi32, #tpu.memory_space<hbm>> -> memref<2000xi32, #tpu.memory_space<hbm>>
      tpu.enqueue_dma source(%dma_start3A_68 : memref<2000xi32, #tpu.memory_space<hbm>>) target(%arg14 : memref<2000xi32, #tpu.memory_space<vmem>>) target_semaphore(%arg21 : memref<!tpu.dma_semaphore, #tpu.memory_space<semaphore_mem>>)
      %dma_start3A_69 = tpu.memref_slice %arg4[%multiple_of3A_66] : memref<3200000xi32, #tpu.memory_space<hbm>> -> memref<2000xi32, #tpu.memory_space<hbm>>
      %dma_start3A_70 = tpu.memref_slice %arg4[%multiple_of3A_66] : memref<3200000xi32, #tpu.memory_space<hbm>> -> memref<2000xi32, #tpu.memory_space<hbm>>
      tpu.enqueue_dma source(%dma_start3A_70 : memref<2000xi32, #tpu.memory_space<hbm>>) target(%arg15 : memref<2000xi32, #tpu.memory_space<vmem>>) target_semaphore(%arg21 : memref<!tpu.dma_semaphore, #tpu.memory_space<semaphore_mem>>)
      %dma_start3A_71 = tpu.memref_slice %arg5[%multiple_of3A_66] : memref<3200000xi32, #tpu.memory_space<hbm>> -> memref<2000xi32, #tpu.memory_space<hbm>>
      %dma_start3A_72 = tpu.memref_slice %arg5[%multiple_of3A_66] : memref<3200000xi32, #tpu.memory_space<hbm>> -> memref<2000xi32, #tpu.memory_space<hbm>>
      tpu.enqueue_dma source(%dma_start3A_72 : memref<2000xi32, #tpu.memory_space<hbm>>) target(%arg16 : memref<2000xi32, #tpu.memory_space<vmem>>) target_semaphore(%arg21 : memref<!tpu.dma_semaphore, #tpu.memory_space<semaphore_mem>>)
      %dma_wait3A = arith.constant 0 : i32
      %dma_wait3A_73 = tpu.memref_slice %arg3[%dma_wait3A] : memref<3200000xi32, #tpu.memory_space<hbm>> -> memref<2000xi32, #tpu.memory_space<hbm>>
      %dma_wait3A_74 = arith.constant 0 : i32
      %dma_wait3A_75 = tpu.memref_slice %arg3[%dma_wait3A_74] : memref<3200000xi32, #tpu.memory_space<hbm>> -> memref<2000xi32, #tpu.memory_space<hbm>>
      tpu.wait_dma2 semaphore(%arg20 : memref<!tpu.dma_semaphore, #tpu.memory_space<semaphore_mem>>) src(%dma_wait3A_75 : memref<2000xi32, #tpu.memory_space<hbm>>) dst(%arg11 : memref<2000xi32, #tpu.memory_space<vmem>>)
      %dma_wait3A_76 = arith.constant 0 : i32
      %dma_wait3A_77 = tpu.memref_slice %arg4[%dma_wait3A_76] : memref<3200000xi32, #tpu.memory_space<hbm>> -> memref<2000xi32, #tpu.memory_space<hbm>>
      %dma_wait3A_78 = arith.constant 0 : i32
      %dma_wait3A_79 = tpu.memref_slice %arg4[%dma_wait3A_78] : memref<3200000xi32, #tpu.memory_space<hbm>> -> memref<2000xi32, #tpu.memory_space<hbm>>
      tpu.wait_dma2 semaphore(%arg20 : memref<!tpu.dma_semaphore, #tpu.memory_space<semaphore_mem>>) src(%dma_wait3A_79 : memref<2000xi32, #tpu.memory_space<hbm>>) dst(%arg12 : memref<2000xi32, #tpu.memory_space<vmem>>)
      %dma_wait3A_80 = arith.constant 0 : i32
      %dma_wait3A_81 = tpu.memref_slice %arg5[%dma_wait3A_80] : memref<3200000xi32, #tpu.memory_space<hbm>> -> memref<2000xi32, #tpu.memory_space<hbm>>
      %dma_wait3A_82 = arith.constant 0 : i32
      %dma_wait3A_83 = tpu.memref_slice %arg5[%dma_wait3A_82] : memref<3200000xi32, #tpu.memory_space<hbm>> -> memref<2000xi32, #tpu.memory_space<hbm>>
      tpu.wait_dma2 semaphore(%arg20 : memref<!tpu.dma_semaphore, #tpu.memory_space<semaphore_mem>>) src(%dma_wait3A_83 : memref<2000xi32, #tpu.memory_space<hbm>>) dst(%arg13 : memref<2000xi32, #tpu.memory_space<vmem>>)
      %scan3A_84 = arith.constant 0 : i32
      %scan3A_85 = arith.constant 125 : i32
      %scan3A_86 = arith.addi %scan3A_84, %scan3A_85 : i32
      %scan3A_87 = arith.constant 1 : i32
      %scan3A_88:4 = scf.for %scan3A_110 = %scan3A_84 to %scan3A_86 step %scan3A_87 iter_args(%scan3A_111 = %scan3A_55, %scan3A_112 = %scan3A_56, %scan3A_113 = %scan3A_57, %scan3A_114 = %scan3A_58) -> (vector<16xi32>, vector<16xf32>, vector<16xf32>, vector<16xf32>)  : i32 {
        %mul3A_115 = arith.constant 16 : i32
        %mul3A_116 = arith.muli %scan3A_110, %mul3A_115 : i32
        %get3A_117 = arith.index_cast %mul3A_116 : i32 to index
        %get3A_118 = tpu.vector_load %arg11[%get3A_117] {strides = array<i32>} : memref<2000xi32, #tpu.memory_space<vmem>>, vector<16xi32>,
        %get3A_119 = arith.index_cast %mul3A_116 : i32 to index
        %get3A_120 = tpu.vector_load %arg12[%get3A_119] {strides = array<i32>} : memref<2000xi32, #tpu.memory_space<vmem>>, vector<16xi32>,
        %get3A_121 = arith.index_cast %mul3A_116 : i32 to index
        %get3A_122 = tpu.vector_load %arg13[%get3A_121] {strides = array<i32>} : memref<2000xi32, #tpu.memory_space<vmem>>, vector<16xi32>,
        %gather3A_123 = tpu.vector_load_idx %arg10[%get3A_118] : memref<100000xf32, #tpu.memory_space<vmem>>[vector<16xi32>], vector<16xf32>,
        %eq3A_124 = arith.cmpi eq, %get3A_120, %broadcast_in_dim3A_15 : vector<16xi32>
        %sub3A_125 = arith.subf %broadcast_in_dim3A_37, %gather3A_123 : vector<16xf32>
        %select_n3A_126 = arith.select %eq3A_124, %gather3A_123, %sub3A_125 : vector<16xi1>, vector<16xf32>
        %broadcast_in_dim3A_127 = vector.shape_cast %max3A_17 : vector<16xi32> to vector<16x1xi32>
        %gather3A_128 = vector.shape_cast %broadcast_in_dim3A_127 : vector<16x1xi32> to vector<16xi32>
        %gather3A_129 = tpu.dynamic_gather %get3A_122[%gather3A_128] in [0] : vector<16xi32>, vector<16xi32> -> vector<16xi32>
        %select_n3A_130 = arith.select %eq3A, %scan3A_111, %gather3A_129 : vector<16xi1>, vector<16xi32>
        %sub3A_131 = arith.subi %get3A_122, %select_n3A_130 : vector<16xi32>
        %ne3A = arith.cmpi ne, %sub3A_131, %broadcast_in_dim3A_13 : vector<16xi32>
        %select_n3A_132 = arith.select %ne3A, %broadcast_in_dim3A_39, %broadcast_in_dim3A_41 : vector<16xi1>, vector<16xf32>
        %broadcast_in_dim3A_133 = arith.constant true
        %broadcast_in_dim3A_134 = vector.broadcast %broadcast_in_dim3A_133 : i1 to vector<16xi1>
        %masked_cumsum3A = tpu.scan <sum>, %select_n3A_132 masked %broadcast_in_dim3A_134 : vector<16xf32>, vector<16xi1> -> vector<16xf32>
        %add3A_135 = arith.addf %masked_cumsum3A, %select_n3A_126 : vector<16xf32>
        %broadcast_in_dim3A_136 = arith.constant true
        %broadcast_in_dim3A_137 = vector.broadcast %broadcast_in_dim3A_136 : i1 to vector<16xi1>
        %masked_cummax3A = tpu.scan <max>, %add3A_135 masked %broadcast_in_dim3A_137 : vector<16xf32>, vector<16xi1> -> vector<16xf32>
        %sub3A_138 = arith.subf %masked_cummax3A, %masked_cumsum3A : vector<16xf32>
        %eq3A_139 = arith.cmpi eq, %get3A_122, %scan3A_111 : vector<16xi32>
        %max3A_140 = arith.maximumf %sub3A_138, %scan3A_112 : vector<16xf32>
        %select_n3A_141 = arith.select %eq3A_139, %max3A_140, %sub3A_138 : vector<16xi1>, vector<16xf32>
        %eq3A_142 = arith.cmpi eq, %get3A_122, %select_n3A : vector<16xi32>
        %select_n3A_143 = arith.select %eq3A_142, %select_n3A_126, %neg3A_33 : vector<16xi1>, vector<16xf32>
        %max3A_144 = arith.maximumf %scan3A_114, %select_n3A_143 : vector<16xf32>
        %broadcast_in_dim3A_145 = vector.shape_cast %min3A : vector<16xi32> to vector<16x1xi32>
        %gather3A_146 = vector.shape_cast %broadcast_in_dim3A_145 : vector<16x1xi32> to vector<16xi32>
        %gather3A_147 = tpu.dynamic_gather %get3A_122[%gather3A_146] in [0] : vector<16xi32>, vector<16xi32> -> vector<16xi32>
        %ne3A_148 = arith.cmpi ne, %get3A_122, %gather3A_147 : vector<16xi32>
        %select_n3A_149 = arith.select %ne3A_148, %select_n3A_141, %broadcast_in_dim3A_31 : vector<16xi1>, vector<16xf32>
        %and3A = arith.andi %eq3A, %ne3A : vector<16xi1>
        %select_n3A_150 = arith.select %and3A, %scan3A_112, %broadcast_in_dim3A_31 : vector<16xi1>, vector<16xf32>
        %gt3A = arith.cmpi sgt, %sub3A_131, %broadcast_in_dim3A_15 : vector<16xi32>
        %select_n3A_151 = arith.select %gt3A, %broadcast_in_dim3A_41, %select_n3A_149 : vector<16xi1>, vector<16xf32>
        %min3A_152 = arith.minimumf %select_n3A_151, %select_n3A_150 : vector<16xf32>
        %min3A_153 = arith.minimumf %scan3A_113, %min3A_152 : vector<16xf32>
        %broadcast_in_dim3A_154 = vector.shape_cast %broadcast_in_dim3A_22 : vector<16xi32> to vector<16x1xi32>
        %gather3A_155 = vector.shape_cast %broadcast_in_dim3A_154 : vector<16x1xi32> to vector<16xi32>
        %gather3A_156 = tpu.dynamic_gather %get3A_122[%gather3A_155] in [0] : vector<16xi32>, vector<16xi32> -> vector<16xi32>
        %broadcast_in_dim3A_157 = vector.shape_cast %broadcast_in_dim3A_22 : vector<16xi32> to vector<16x1xi32>
        %gather3A_158 = vector.shape_cast %broadcast_in_dim3A_157 : vector<16x1xi32> to vector<16xi32>
        %gather3A_159 = tpu.dynamic_gather %select_n3A_141[%gather3A_158] in [0] : vector<16xf32>, vector<16xi32> -> vector<16xf32>
        scf.yield %gather3A_156, %gather3A_159, %min3A_153, %max3A_144 : vector<16xi32>, vector<16xf32>, vector<16xf32>, vector<16xf32>
      }
      %scan3A_89 = arith.constant 125 : i32
      %lt3A = arith.constant 24 : i32
      %lt3A_90 = arith.cmpi slt, %scan3A_54, %lt3A : i32
      %convert_element_type3A = arith.extui %lt3A_90 : i1 to i32
      %cond3A = arith.constant 0 : i32
      %cond3A_91 = arith.cmpi ne, %convert_element_type3A, %cond3A : i32
      scf.if %cond3A_91 {
        %mul3A_110 = arith.constant 2 : i32
        %mul3A_111 = arith.muli %mul3A_110, %scan3A_54 : i32
        %add3A_112 = arith.constant 2 : i32
        %add3A_113 = arith.addi %mul3A_111, %add3A_112 : i32
        %mul3A_114 = arith.constant 2000 : i32
        %mul3A_115 = arith.muli %add3A_113, %mul3A_114 : i32
        %add3A_116 = arith.addi %mul3A_2, %mul3A_115 : i32
        %multiple_of3A_117 = tpu.assume_multiple %add3A_116, 8 : i32
        %dma_start3A_118 = tpu.memref_slice %arg3[%multiple_of3A_117] : memref<3200000xi32, #tpu.memory_space<hbm>> -> memref<2000xi32, #tpu.memory_space<hbm>>
        %dma_start3A_119 = tpu.memref_slice %arg3[%multiple_of3A_117] : memref<3200000xi32, #tpu.memory_space<hbm>> -> memref<2000xi32, #tpu.memory_space<hbm>>
        tpu.enqueue_dma source(%dma_start3A_119 : memref<2000xi32, #tpu.memory_space<hbm>>) target(%arg11 : memref<2000xi32, #tpu.memory_space<vmem>>) target_semaphore(%arg20 : memref<!tpu.dma_semaphore, #tpu.memory_space<semaphore_mem>>)
        %dma_start3A_120 = tpu.memref_slice %arg4[%multiple_of3A_117] : memref<3200000xi32, #tpu.memory_space<hbm>> -> memref<2000xi32, #tpu.memory_space<hbm>>
        %dma_start3A_121 = tpu.memref_slice %arg4[%multiple_of3A_117] : memref<3200000xi32, #tpu.memory_space<hbm>> -> memref<2000xi32, #tpu.memory_space<hbm>>
        tpu.enqueue_dma source(%dma_start3A_121 : memref<2000xi32, #tpu.memory_space<hbm>>) target(%arg12 : memref<2000xi32, #tpu.memory_space<vmem>>) target_semaphore(%arg20 : memref<!tpu.dma_semaphore, #tpu.memory_space<semaphore_mem>>)
        %dma_start3A_122 = tpu.memref_slice %arg5[%multiple_of3A_117] : memref<3200000xi32, #tpu.memory_space<hbm>> -> memref<2000xi32, #tpu.memory_space<hbm>>
        %dma_start3A_123 = tpu.memref_slice %arg5[%multiple_of3A_117] : memref<3200000xi32, #tpu.memory_space<hbm>> -> memref<2000xi32, #tpu.memory_space<hbm>>
        tpu.enqueue_dma source(%dma_start3A_123 : memref<2000xi32, #tpu.memory_space<hbm>>) target(%arg13 : memref<2000xi32, #tpu.memory_space<vmem>>) target_semaphore(%arg20 : memref<!tpu.dma_semaphore, #tpu.memory_space<semaphore_mem>>)
      } else {
      }
      %dma_wait3A_92 = arith.constant 0 : i32
      %dma_wait3A_93 = tpu.memref_slice %arg3[%dma_wait3A_92] : memref<3200000xi32, #tpu.memory_space<hbm>> -> memref<2000xi32, #tpu.memory_space<hbm>>
      %dma_wait3A_94 = arith.constant 0 : i32
      %dma_wait3A_95 = tpu.memref_slice %arg3[%dma_wait3A_94] : memref<3200000xi32, #tpu.memory_space<hbm>> -> memref<2000xi32, #tpu.memory_space<hbm>>
      tpu.wait_dma2 semaphore(%arg21 : memref<!tpu.dma_semaphore, #tpu.memory_space<semaphore_mem>>) src(%dma_wait3A_95 : memref<2000xi32, #tpu.memory_space<hbm>>) dst(%arg14 : memref<2000xi32, #tpu.memory_space<vmem>>)
      %dma_wait3A_96 = arith.constant 0 : i32
      %dma_wait3A_97 = tpu.memref_slice %arg4[%dma_wait3A_96] : memref<3200000xi32, #tpu.memory_space<hbm>> -> memref<2000xi32, #tpu.memory_space<hbm>>
      %dma_wait3A_98 = arith.constant 0 : i32
      %dma_wait3A_99 = tpu.memref_slice %arg4[%dma_wait3A_98] : memref<3200000xi32, #tpu.memory_space<hbm>> -> memref<2000xi32, #tpu.memory_space<hbm>>
      tpu.wait_dma2 semaphore(%arg21 : memref<!tpu.dma_semaphore, #tpu.memory_space<semaphore_mem>>) src(%dma_wait3A_99 : memref<2000xi32, #tpu.memory_space<hbm>>) dst(%arg15 : memref<2000xi32, #tpu.memory_space<vmem>>)
      %dma_wait3A_100 = arith.constant 0 : i32
      %dma_wait3A_101 = tpu.memref_slice %arg5[%dma_wait3A_100] : memref<3200000xi32, #tpu.memory_space<hbm>> -> memref<2000xi32, #tpu.memory_space<hbm>>
      %dma_wait3A_102 = arith.constant 0 : i32
      %dma_wait3A_103 = tpu.memref_slice %arg5[%dma_wait3A_102] : memref<3200000xi32, #tpu.memory_space<hbm>> -> memref<2000xi32, #tpu.memory_space<hbm>>
      tpu.wait_dma2 semaphore(%arg21 : memref<!tpu.dma_semaphore, #tpu.memory_space<semaphore_mem>>) src(%dma_wait3A_103 : memref<2000xi32, #tpu.memory_space<hbm>>) dst(%arg16 : memref<2000xi32, #tpu.memory_space<vmem>>)
      %scan3A_104 = arith.constant 0 : i32
      %scan3A_105 = arith.constant 125 : i32
      %scan3A_106 = arith.addi %scan3A_104, %scan3A_105 : i32
      %scan3A_107 = arith.constant 1 : i32
      %scan3A_108:4 = scf.for %scan3A_110 = %scan3A_104 to %scan3A_106 step %scan3A_107 iter_args(%scan3A_111 = %scan3A_88#0, %scan3A_112 = %scan3A_88#1, %scan3A_113 = %scan3A_88#2, %scan3A_114 = %scan3A_88#3) -> (vector<16xi32>, vector<16xf32>, vector<16xf32>, vector<16xf32>)  : i32 {
        %mul3A_115 = arith.constant 16 : i32
        %mul3A_116 = arith.muli %scan3A_110, %mul3A_115 : i32
        %get3A_117 = arith.index_cast %mul3A_116 : i32 to index
        %get3A_118 = tpu.vector_load %arg14[%get3A_117] {strides = array<i32>} : memref<2000xi32, #tpu.memory_space<vmem>>, vector<16xi32>,
        %get3A_119 = arith.index_cast %mul3A_116 : i32 to index
        %get3A_120 = tpu.vector_load %arg15[%get3A_119] {strides = array<i32>} : memref<2000xi32, #tpu.memory_space<vmem>>, vector<16xi32>,
        %get3A_121 = arith.index_cast %mul3A_116 : i32 to index
        %get3A_122 = tpu.vector_load %arg16[%get3A_121] {strides = array<i32>} : memref<2000xi32, #tpu.memory_space<vmem>>, vector<16xi32>,
        %gather3A_123 = tpu.vector_load_idx %arg10[%get3A_118] : memref<100000xf32, #tpu.memory_space<vmem>>[vector<16xi32>], vector<16xf32>,
        %eq3A_124 = arith.cmpi eq, %get3A_120, %broadcast_in_dim3A_15 : vector<16xi32>
        %sub3A_125 = arith.subf %broadcast_in_dim3A_37, %gather3A_123 : vector<16xf32>
        %select_n3A_126 = arith.select %eq3A_124, %gather3A_123, %sub3A_125 : vector<16xi1>, vector<16xf32>
        %broadcast_in_dim3A_127 = vector.shape_cast %max3A_17 : vector<16xi32> to vector<16x1xi32>
        %gather3A_128 = vector.shape_cast %broadcast_in_dim3A_127 : vector<16x1xi32> to vector<16xi32>
        %gather3A_129 = tpu.dynamic_gather %get3A_122[%gather3A_128] in [0] : vector<16xi32>, vector<16xi32> -> vector<16xi32>
        %select_n3A_130 = arith.select %eq3A, %scan3A_111, %gather3A_129 : vector<16xi1>, vector<16xi32>
        %sub3A_131 = arith.subi %get3A_122, %select_n3A_130 : vector<16xi32>
        %ne3A = arith.cmpi ne, %sub3A_131, %broadcast_in_dim3A_13 : vector<16xi32>
        %select_n3A_132 = arith.select %ne3A, %broadcast_in_dim3A_39, %broadcast_in_dim3A_41 : vector<16xi1>, vector<16xf32>
        %broadcast_in_dim3A_133 = arith.constant true
        %broadcast_in_dim3A_134 = vector.broadcast %broadcast_in_dim3A_133 : i1 to vector<16xi1>
        %masked_cumsum3A = tpu.scan <sum>, %select_n3A_132 masked %broadcast_in_dim3A_134 : vector<16xf32>, vector<16xi1> -> vector<16xf32>
        %add3A_135 = arith.addf %masked_cumsum3A, %select_n3A_126 : vector<16xf32>
        %broadcast_in_dim3A_136 = arith.constant true
        %broadcast_in_dim3A_137 = vector.broadcast %broadcast_in_dim3A_136 : i1 to vector<16xi1>
        %masked_cummax3A = tpu.scan <max>, %add3A_135 masked %broadcast_in_dim3A_137 : vector<16xf32>, vector<16xi1> -> vector<16xf32>
        %sub3A_138 = arith.subf %masked_cummax3A, %masked_cumsum3A : vector<16xf32>
        %eq3A_139 = arith.cmpi eq, %get3A_122, %scan3A_111 : vector<16xi32>
        %max3A_140 = arith.maximumf %sub3A_138, %scan3A_112 : vector<16xf32>
        %select_n3A_141 = arith.select %eq3A_139, %max3A_140, %sub3A_138 : vector<16xi1>, vector<16xf32>
        %eq3A_142 = arith.cmpi eq, %get3A_122, %select_n3A : vector<16xi32>
        %select_n3A_143 = arith.select %eq3A_142, %select_n3A_126, %neg3A_33 : vector<16xi1>, vector<16xf32>
        %max3A_144 = arith.maximumf %scan3A_114, %select_n3A_143 : vector<16xf32>
        %broadcast_in_dim3A_145 = vector.shape_cast %min3A : vector<16xi32> to vector<16x1xi32>
        %gather3A_146 = vector.shape_cast %broadcast_in_dim3A_145 : vector<16x1xi32> to vector<16xi32>
        %gather3A_147 = tpu.dynamic_gather %get3A_122[%gather3A_146] in [0] : vector<16xi32>, vector<16xi32> -> vector<16xi32>
        %ne3A_148 = arith.cmpi ne, %get3A_122, %gather3A_147 : vector<16xi32>
        %select_n3A_149 = arith.select %ne3A_148, %select_n3A_141, %broadcast_in_dim3A_31 : vector<16xi1>, vector<16xf32>
        %and3A = arith.andi %eq3A, %ne3A : vector<16xi1>
        %select_n3A_150 = arith.select %and3A, %scan3A_112, %broadcast_in_dim3A_31 : vector<16xi1>, vector<16xf32>
        %gt3A = arith.cmpi sgt, %sub3A_131, %broadcast_in_dim3A_15 : vector<16xi32>
        %select_n3A_151 = arith.select %gt3A, %broadcast_in_dim3A_41, %select_n3A_149 : vector<16xi1>, vector<16xf32>
        %min3A_152 = arith.minimumf %select_n3A_151, %select_n3A_150 : vector<16xf32>
        %min3A_153 = arith.minimumf %scan3A_113, %min3A_152 : vector<16xf32>
        %broadcast_in_dim3A_154 = vector.shape_cast %broadcast_in_dim3A_22 : vector<16xi32> to vector<16x1xi32>
        %gather3A_155 = vector.shape_cast %broadcast_in_dim3A_154 : vector<16x1xi32> to vector<16xi32>
        %gather3A_156 = tpu.dynamic_gather %get3A_122[%gather3A_155] in [0] : vector<16xi32>, vector<16xi32> -> vector<16xi32>
        %broadcast_in_dim3A_157 = vector.shape_cast %broadcast_in_dim3A_22 : vector<16xi32> to vector<16x1xi32>
        %gather3A_158 = vector.shape_cast %broadcast_in_dim3A_157 : vector<16x1xi32> to vector<16xi32>
        %gather3A_159 = tpu.dynamic_gather %select_n3A_141[%gather3A_158] in [0] : vector<16xf32>, vector<16xi32> -> vector<16xf32>
        scf.yield %gather3A_156, %gather3A_159, %min3A_153, %max3A_144 : vector<16xi32>, vector<16xf32>, vector<16xf32>, vector<16xf32>
      }
      %scan3A_109 = arith.constant 125 : i32
      scf.yield %scan3A_108#0, %scan3A_108#1, %scan3A_108#2, %scan3A_108#3 : vector<16xi32>, vector<16xf32>, vector<16xf32>, vector<16xf32>
    }
    %scan3A_46 = arith.constant 25 : i32
    %swap3A = arith.constant 0 : index
    %swap3A_47 = tpu.vector_load %arg18[%swap3A] {strides = array<i32>} : memref<16xf32, #tpu.memory_space<vmem>>, vector<16xf32>,
    tpu.vector_store %arg18[%swap3A], %scan3A_45#2 {strides = array<i32>} : memref<16xf32, #tpu.memory_space<vmem>>, vector<16xf32>,
    "tpu.region"() ({
      %run_scoped3A = tpu.sem_alloc : memref<!tpu.dma_semaphore, #tpu.memory_space<semaphore_mem>>
      %dma_start3A_54 = arith.constant 0 : i32
      %dma_start3A_55 = tpu.memref_slice %arg6[%add3A, %dma_start3A_54] : memref<32x16xf32, #tpu.memory_space<hbm>> -> memref<1x16xf32, #tpu.memory_space<hbm>>
      %dma_start3A_56 = tpu.memref_squeeze %dma_start3A_55 : memref<1x16xf32, #tpu.memory_space<hbm>> -> memref<16xf32, #tpu.memory_space<hbm>>
      %dma_start3A_57 = arith.constant 0 : i32
      %dma_start3A_58 = tpu.memref_slice %arg6[%add3A, %dma_start3A_57] : memref<32x16xf32, #tpu.memory_space<hbm>> -> memref<1x16xf32, #tpu.memory_space<hbm>>
      %dma_start3A_59 = tpu.memref_squeeze %dma_start3A_58 : memref<1x16xf32, #tpu.memory_space<hbm>> -> memref<16xf32, #tpu.memory_space<hbm>>
      tpu.enqueue_dma source(%arg18 : memref<16xf32, #tpu.memory_space<vmem>>) target(%dma_start3A_59 : memref<16xf32, #tpu.memory_space<hbm>>) target_semaphore(%run_scoped3A : memref<!tpu.dma_semaphore, #tpu.memory_space<semaphore_mem>>)
      %dma_wait3A = arith.constant 0 : i32
      %dma_wait3A_60 = tpu.memref_slice %arg6[%add3A, %dma_wait3A] : memref<32x16xf32, #tpu.memory_space<hbm>> -> memref<1x16xf32, #tpu.memory_space<hbm>>
      %dma_wait3A_61 = tpu.memref_squeeze %dma_wait3A_60 : memref<1x16xf32, #tpu.memory_space<hbm>> -> memref<16xf32, #tpu.memory_space<hbm>>
      %dma_wait3A_62 = arith.constant 0 : i32
      %dma_wait3A_63 = tpu.memref_slice %arg6[%add3A, %dma_wait3A_62] : memref<32x16xf32, #tpu.memory_space<hbm>> -> memref<1x16xf32, #tpu.memory_space<hbm>>
      %dma_wait3A_64 = tpu.memref_squeeze %dma_wait3A_63 : memref<1x16xf32, #tpu.memory_space<hbm>> -> memref<16xf32, #tpu.memory_space<hbm>>
      tpu.wait_dma2 semaphore(%run_scoped3A : memref<!tpu.dma_semaphore, #tpu.memory_space<semaphore_mem>>) src(%arg18 : memref<16xf32, #tpu.memory_space<vmem>>) dst(%dma_wait3A_64 : memref<16xf32, #tpu.memory_space<hbm>>)
      tpu.yield
    }) : () -> ()
    %swap3A_48 = arith.constant 0 : index
    %swap3A_49 = tpu.vector_load %arg18[%swap3A_48] {strides = array<i32>} : memref<16xf32, #tpu.memory_space<vmem>>, vector<16xf32>,
    tpu.vector_store %arg18[%swap3A_48], %scan3A_45#3 {strides = array<i32>} : memref<16xf32, #tpu.memory_space<vmem>>, vector<16xf32>,
    "tpu.region"() ({
      %run_scoped3A = tpu.sem_alloc : memref<!tpu.dma_semaphore, #tpu.memory_space<semaphore_mem>>
      %dma_start3A_54 = arith.constant 0 : i32
      %dma_start3A_55 = tpu.memref_slice %arg7[%add3A, %dma_start3A_54] : memref<32x16xf32, #tpu.memory_space<hbm>> -> memref<1x16xf32, #tpu.memory_space<hbm>>
      %dma_start3A_56 = tpu.memref_squeeze %dma_start3A_55 : memref<1x16xf32, #tpu.memory_space<hbm>> -> memref<16xf32, #tpu.memory_space<hbm>>
      %dma_start3A_57 = arith.constant 0 : i32
      %dma_start3A_58 = tpu.memref_slice %arg7[%add3A, %dma_start3A_57] : memref<32x16xf32, #tpu.memory_space<hbm>> -> memref<1x16xf32, #tpu.memory_space<hbm>>
      %dma_start3A_59 = tpu.memref_squeeze %dma_start3A_58 : memref<1x16xf32, #tpu.memory_space<hbm>> -> memref<16xf32, #tpu.memory_space<hbm>>
      tpu.enqueue_dma source(%arg18 : memref<16xf32, #tpu.memory_space<vmem>>) target(%dma_start3A_59 : memref<16xf32, #tpu.memory_space<hbm>>) target_semaphore(%run_scoped3A : memref<!tpu.dma_semaphore, #tpu.memory_space<semaphore_mem>>)
      %dma_wait3A = arith.constant 0 : i32
      %dma_wait3A_60 = tpu.memref_slice %arg7[%add3A, %dma_wait3A] : memref<32x16xf32, #tpu.memory_space<hbm>> -> memref<1x16xf32, #tpu.memory_space<hbm>>
      %dma_wait3A_61 = tpu.memref_squeeze %dma_wait3A_60 : memref<1x16xf32, #tpu.memory_space<hbm>> -> memref<16xf32, #tpu.memory_space<hbm>>
      %dma_wait3A_62 = arith.constant 0 : i32
      %dma_wait3A_63 = tpu.memref_slice %arg7[%add3A, %dma_wait3A_62] : memref<32x16xf32, #tpu.memory_space<hbm>> -> memref<1x16xf32, #tpu.memory_space<hbm>>
      %dma_wait3A_64 = tpu.memref_squeeze %dma_wait3A_63 : memref<1x16xf32, #tpu.memory_space<hbm>> -> memref<16xf32, #tpu.memory_space<hbm>>
      tpu.wait_dma2 semaphore(%run_scoped3A : memref<!tpu.dma_semaphore, #tpu.memory_space<semaphore_mem>>) src(%arg18 : memref<16xf32, #tpu.memory_space<vmem>>) dst(%dma_wait3A_64 : memref<16xf32, #tpu.memory_space<hbm>>)
      tpu.yield
    }) : () -> ()
    %swap3A_50 = arith.constant 0 : index
    %swap3A_51 = tpu.vector_load %arg18[%swap3A_50] {strides = array<i32>} : memref<16xf32, #tpu.memory_space<vmem>>, vector<16xf32>,
    tpu.vector_store %arg18[%swap3A_50], %scan3A_45#1 {strides = array<i32>} : memref<16xf32, #tpu.memory_space<vmem>>, vector<16xf32>,
    "tpu.region"() ({
      %run_scoped3A = tpu.sem_alloc : memref<!tpu.dma_semaphore, #tpu.memory_space<semaphore_mem>>
      %dma_start3A_54 = arith.constant 0 : i32
      %dma_start3A_55 = tpu.memref_slice %arg8[%add3A, %dma_start3A_54] : memref<32x16xf32, #tpu.memory_space<hbm>> -> memref<1x16xf32, #tpu.memory_space<hbm>>
      %dma_start3A_56 = tpu.memref_squeeze %dma_start3A_55 : memref<1x16xf32, #tpu.memory_space<hbm>> -> memref<16xf32, #tpu.memory_space<hbm>>
      %dma_start3A_57 = arith.constant 0 : i32
      %dma_start3A_58 = tpu.memref_slice %arg8[%add3A, %dma_start3A_57] : memref<32x16xf32, #tpu.memory_space<hbm>> -> memref<1x16xf32, #tpu.memory_space<hbm>>
      %dma_start3A_59 = tpu.memref_squeeze %dma_start3A_58 : memref<1x16xf32, #tpu.memory_space<hbm>> -> memref<16xf32, #tpu.memory_space<hbm>>
      tpu.enqueue_dma source(%arg18 : memref<16xf32, #tpu.memory_space<vmem>>) target(%dma_start3A_59 : memref<16xf32, #tpu.memory_space<hbm>>) target_semaphore(%run_scoped3A : memref<!tpu.dma_semaphore, #tpu.memory_space<semaphore_mem>>)
      %dma_wait3A = arith.constant 0 : i32
      %dma_wait3A_60 = tpu.memref_slice %arg8[%add3A, %dma_wait3A] : memref<32x16xf32, #tpu.memory_space<hbm>> -> memref<1x16xf32, #tpu.memory_space<hbm>>
      %dma_wait3A_61 = tpu.memref_squeeze %dma_wait3A_60 : memref<1x16xf32, #tpu.memory_space<hbm>> -> memref<16xf32, #tpu.memory_space<hbm>>
      %dma_wait3A_62 = arith.constant 0 : i32
      %dma_wait3A_63 = tpu.memref_slice %arg8[%add3A, %dma_wait3A_62] : memref<32x16xf32, #tpu.memory_space<hbm>> -> memref<1x16xf32, #tpu.memory_space<hbm>>
      %dma_wait3A_64 = tpu.memref_squeeze %dma_wait3A_63 : memref<1x16xf32, #tpu.memory_space<hbm>> -> memref<16xf32, #tpu.memory_space<hbm>>
      tpu.wait_dma2 semaphore(%run_scoped3A : memref<!tpu.dma_semaphore, #tpu.memory_space<semaphore_mem>>) src(%arg18 : memref<16xf32, #tpu.memory_space<vmem>>) dst(%dma_wait3A_64 : memref<16xf32, #tpu.memory_space<hbm>>)
      tpu.yield
    }) : () -> ()
    %swap3A_52 = arith.constant 0 : index
    %swap3A_53 = tpu.vector_load %arg19[%swap3A_52] {strides = array<i32>} : memref<16xi32, #tpu.memory_space<vmem>>, vector<16xi32>,
    tpu.vector_store %arg19[%swap3A_52], %scan3A_45#0 {strides = array<i32>} : memref<16xi32, #tpu.memory_space<vmem>>, vector<16xi32>,
    "tpu.region"() ({
      %run_scoped3A = tpu.sem_alloc : memref<!tpu.dma_semaphore, #tpu.memory_space<semaphore_mem>>
      %dma_start3A_54 = arith.constant 0 : i32
      %dma_start3A_55 = tpu.memref_slice %arg9[%add3A, %dma_start3A_54] : memref<32x16xi32, #tpu.memory_space<hbm>> -> memref<1x16xi32, #tpu.memory_space<hbm>>
      %dma_start3A_56 = tpu.memref_squeeze %dma_start3A_55 : memref<1x16xi32, #tpu.memory_space<hbm>> -> memref<16xi32, #tpu.memory_space<hbm>>
      %dma_start3A_57 = arith.constant 0 : i32
      %dma_start3A_58 = tpu.memref_slice %arg9[%add3A, %dma_start3A_57] : memref<32x16xi32, #tpu.memory_space<hbm>> -> memref<1x16xi32, #tpu.memory_space<hbm>>
      %dma_start3A_59 = tpu.memref_squeeze %dma_start3A_58 : memref<1x16xi32, #tpu.memory_space<hbm>> -> memref<16xi32, #tpu.memory_space<hbm>>
      tpu.enqueue_dma source(%arg19 : memref<16xi32, #tpu.memory_space<vmem>>) target(%dma_start3A_59 : memref<16xi32, #tpu.memory_space<hbm>>) target_semaphore(%run_scoped3A : memref<!tpu.dma_semaphore, #tpu.memory_space<semaphore_mem>>)
      %dma_wait3A = arith.constant 0 : i32
      %dma_wait3A_60 = tpu.memref_slice %arg9[%add3A, %dma_wait3A] : memref<32x16xi32, #tpu.memory_space<hbm>> -> memref<1x16xi32, #tpu.memory_space<hbm>>
      %dma_wait3A_61 = tpu.memref_squeeze %dma_wait3A_60 : memref<1x16xi32, #tpu.memory_space<hbm>> -> memref<16xi32, #tpu.memory_space<hbm>>
      %dma_wait3A_62 = arith.constant 0 : i32
      %dma_wait3A_63 = tpu.memref_slice %arg9[%add3A, %dma_wait3A_62] : memref<32x16xi32, #tpu.memory_space<hbm>> -> memref<1x16xi32, #tpu.memory_space<hbm>>
      %dma_wait3A_64 = tpu.memref_squeeze %dma_wait3A_63 : memref<1x16xi32, #tpu.memory_space<hbm>> -> memref<16xi32, #tpu.memory_space<hbm>>
      tpu.wait_dma2 semaphore(%run_scoped3A : memref<!tpu.dma_semaphore, #tpu.memory_space<semaphore_mem>>) src(%arg19 : memref<16xi32, #tpu.memory_space<vmem>>) dst(%dma_wait3A_64 : memref<16xi32, #tpu.memory_space<hbm>>)
      tpu.yield
    }) : () -> ()
    return
  }
}

</mosaic_0001>

<sc_bundles>
// kernel: kernel.3.cloned.1.call-start
scs
__scs_entry_jumppad:
0x0: {  	(pc) =	sbr.rel $0x88, $3  }
0x1: {  	(tag) =	ssettag $0x0;
	lr =	simm.s32 $0x1  }
0x2: {  	[smem:$0x3F9D] =	sst lr;
	_ =	strace $0xD0000000  }
0x3: {  	_ = 	snop  }
0x4: {  	_ = 	snop  }
0x5: {  	_ = 	snop  }
0x6: {  	_ = 	snop  }
0x7: {  	_ = 	snop  }
__scs_overlays_trampoline_lowered:
0x8: {  	[smem:$0x3FAC] =	sst s0  }
0x9: {  	[smem:$0x3FAD] =	sst s1  }
0xa: {  	[smem:$0x3FAE] =	sst s2  }
0xb: {  	[smem:$0x3FAF] =	sst s3  }
0xc: {  	[smem:$0x3FB0] =	sst s4  }
0xd: {  	[smem:$0x3FB1] =	sst s5  }
0xe: {  	[smem:$0x3FB2] =	sst s6  }
0xf: {  	[smem:$0x3FB3] =	sst s7  }
0x10: {  	[smem:$0x3FB4] =	sst s8  }
0x11: {  	[smem:$0x3FB5] =	sst s9;
	s0 =	simm.s32 @!p0 $0x0  }
0x12: {  	s1 =	sld [smem:$0x3F9B];
	s0 =	simm.s32 @p0 $0x1  }
0x13: {  	[smem:$0x3FB6] =	sst s0;
	s0 =	simm.s32 @!p1 $0x0  }
0x14: {  	s2 =	sld [smem:$0x3F9A];
	s0 =	simm.s32 @p1 $0x1  }
0x15: {  	[smem:$0x3FB7] =	sst s0;
	s0 =	simm.s32 @!p2 $0x0  }
0x16: {  	s3 =	sld [smem:$0x3FDB];
	s0 =	simm.s32 @p2 $0x1  }
0x17: {  	s4 =	simm.s32 $0x1BF5;
	[smem:$0x3FB9] =	sst s0  }
0x18: {  	s0 =	sld [smem:$0x3F9C];
	_ =	swait.ge [sflag:s4], $0x0  }
0x19: {  	s7 =	sld [smem:$0x3F9D]  }
0x1a: {  	s8 =	sadd.s32 $0xFFFFE003, lr  }
0x1b: {  	s9 =	sadd.s32 $0xFFFFFEF7, lr;
	s5 =	simm.s32 $0xFFFFFFFF;
	p2 =	slt.u32 s8, $0xFFFFF086  }
0x1c: {  	p1 =	slt.u32 s9, $0xF7A;
	s5 =	simm.s32 @!p2 $0x0  }
0x1d: {  	s5 =	simm.s32 @p1 $0x1;
	p0 =	seq.s32 s7, s2  }
0x1e: {  	s7 =	smul.u32 @!p0 $0xF7A, s2;
	p2 =	seq.s32 @!p0 s5, $0x0  }
0x1f: {  	s9 =	smul.u32 $0xF7A, s1;
	s8 =	simm.s32 @!p0 $0x1BF5;
	p2 =	por !p2, p0  }
0x20: {  	[sflag:s8] =	ssyncset.s32 @!p0 $0xFFFFF086;
	s6 =	sadd.s32 @!p0 s3, s7;
	s7 =	simm.s32 @!p0 $0x108  }
0x21: {  	s3 =	sadd.s32 s3, s9;
	s6 =	sadd.s32 @!p0 $0x88, s6;
	s7 =	simm.s32 @p2 $0x1082  }
0x22: {  	[simem:s7], [sflag:s8] =	dma.local @!p0 [hbm:s6], $0xF7A  }
0x23: {  	s9 =	sor.u32 $0xD0000000, s2;
	s6 =	simm.s32 $0x108;
	_ =	swait.ge @!p0 [sflag:s8], $0x0  }
0x24: {  	s3 =	sadd.s32 $0x88, s3;
	s6 =	simm.s32 @!p1 $0x1082;
	[sflag:s4] =	ssyncset.s32 $0xFFFFF086  }
0x25: {  	[simem:s6], [sflag:s4] =	dma.local [hbm:s3], $0xF7A  }
0x26: {  	[smem:$0x3F9D] =	sst s1;
	(tag) =	ssettag s2;
	_ =	strace s9  }
0x27: {  	s1 =	sld [smem:$0x3FAD]  }
0x28: {  	s2 =	sld [smem:$0x3FAE]  }
0x29: {  	s4 =	sld [smem:$0x3FB0]  }
0x2a: {  	p0 =	seq.s32 s5, $0x0;
	s5 =	sld [smem:$0x3FB1]  }
0x2b: {  	s6 =	sld [smem:$0x3FB2]  }
0x2c: {  	s7 =	sld [smem:$0x3FB3]  }
0x2d: {  	s3 =	simm.s32 $0x108;
	s8 =	sld [smem:$0x3FB4]  }
0x2e: {  	s3 =	simm.s32 @!p0 $0x1082;
	s9 =	sld [smem:$0x3FB5]  }
0x2f: {  	lr =	sadd.s32 s0, s3;
	s0 =	sld [smem:$0x3FAC]  }
0x30: {  	s3 =	sld [smem:$0x3FAF]  }
0x31: {  	[smem:$0x3FB8] =	sst s10  }
0x32: {  	s10 =	sld [smem:$0x3FB6];
	_ =	sdelay $0x3  }
0x33: {  	p0 =	seq.s32 s10, $0x1;
	s10 =	sld [smem:$0x3FB8];
	_ =	sdelay $0x3  }
0x34: {  	[smem:$0x3FB8] =	sst s10  }
0x35: {  	s10 =	sld [smem:$0x3FB7];
	_ =	sdelay $0x3  }
0x36: {  	p1 =	seq.s32 s10, $0x1;
	s10 =	sld [smem:$0x3FB8];
	_ =	sdelay $0x3  }
0x37: {  	[smem:$0x3FB8] =	sst s10  }
0x38: {  	s10 =	sld [smem:$0x3FB9]  }
0x39: {  	_ = 	snop;
	(pc) =	sbr.ind lr, $3  }
0x3a: {  	_ = 	snop  }
0x3b: {  	_ = 	snop  }
0x3c: {  	p2 =	seq.s32 s10, $0x1;
	s10 =	sld [smem:$0x3FB8]  }
0x3d: {  	_ =	shalt  }
0x3e: {  	_ =	shalt  }
0x3f: {  	_ =	shalt  }
0x40: {  	_ =	shalt  }
0x41: {  	_ =	shalt  }
0x42: {  	_ =	shalt  }
0x43: {  	_ =	shalt  }
0x44: {  	_ =	shalt  }
0x45: {  	_ =	shalt  }
0x46: {  	_ =	shalt  }
0x47: {  	_ =	shalt  }
0x48: {  	_ =	shalt  }
0x49: {  	_ =	shalt  }
0x4a: {  	_ =	shalt  }
0x4b: {  	_ =	shalt  }
0x4c: {  	_ =	shalt  }
0x4d: {  	_ =	shalt  }
0x4e: {  	_ =	shalt  }
0x4f: {  	_ =	shalt  }
0x50: {  	_ =	shalt  }
0x51: {  	_ =	shalt  }
0x52: {  	_ =	shalt  }
0x53: {  	_ =	shalt  }
0x54: {  	_ =	shalt  }
0x55: {  	_ =	shalt  }
0x56: {  	_ =	shalt  }
0x57: {  	_ =	shalt  }
0x58: {  	_ =	shalt  }
0x59: {  	_ =	shalt  }
0x5a: {  	_ =	shalt  }
0x5b: {  	_ =	shalt  }
0x5c: {  	_ =	shalt  }
0x5d: {  	_ =	shalt  }
0x5e: {  	_ =	shalt  }
0x5f: {  	_ =	shalt  }
0x60: {  	_ =	shalt  }
0x61: {  	_ =	shalt  }
0x62: {  	_ =	shalt  }
0x63: {  	_ =	shalt  }
0x64: {  	_ =	shalt  }
0x65: {  	_ =	shalt  }
0x66: {  	_ =	shalt  }
0x67: {  	_ =	shalt  }
0x68: {  	_ =	shalt  }
0x69: {  	_ =	shalt  }
0x6a: {  	_ =	shalt  }
0x6b: {  	_ =	shalt  }
0x6c: {  	_ =	shalt  }
0x6d: {  	_ =	shalt  }
0x6e: {  	_ =	shalt  }
0x6f: {  	_ =	shalt  }
0x70: {  	_ =	shalt  }
0x71: {  	_ =	shalt  }
0x72: {  	_ =	shalt  }
0x73: {  	_ =	shalt  }
0x74: {  	_ =	shalt  }
0x75: {  	_ =	shalt  }
0x76: {  	_ =	shalt  }
0x77: {  	_ =	shalt  }
0x78: {  	_ =	shalt  }
0x79: {  	_ =	shalt  }
0x7a: {  	_ =	shalt  }
0x7b: {  	_ =	shalt  }
0x7c: {  	_ =	shalt  }
0x7d: {  	_ =	shalt  }
0x7e: {  	_ =	shalt  }
0x7f: {  	_ =	shalt  }
0x80: {  	_ =	shalt  }
0x81: {  	_ =	shalt  }
0x82: {  	_ =	shalt  }
0x83: {  	_ =	shalt  }
0x84: {  	_ =	shalt  }
0x85: {  	_ =	shalt  }
0x86: {  	_ =	shalt  }
0x87: {  	_ =	shalt  }
.Lfunc_end0:
.L_simem_size_0:
called_computation_lowered:
.L_overlay_start_0:
0x88: {  	s2 =	sld [smem:$0x3FD9]  }
0x89: {  	s3 =	sld [smem:$0x3FFE];
	_ =	sdelay $0x1  }
0x8a: {  	s1 =	srdreg.scid  }
0x8b: {  	s0 =	sand.u32 $0x1, s1  }
0x8c: {  	s17 =	sshll.u32 s0, $0xA;
	s2 =	sadd.s32 s3, s2  }
0x8d: {  	s2 =	sadd.s32 s2, s17  }
0x8e: {  	[smem:$0x3FC4] =	sst s2  }
0x8f: {  	_ = 	snop  }
0x90: {  	s2 =	sld [smem:$0x3FC9]  }
0x91: {  	s18 =	sld [smem:$0x3FC8]  }
0x92: {  	s4 =	sld [smem:$0x3FC7]  }
0x93: {  	s5 =	sld [smem:$0x3FC6];
	(tm) =	ssettm $0x1  }
0x94: {  	s6 =	sld [smem:$0x3FFB];
	_ =	sdelay $0x3  }
0x95: {  	_ =	strace s6  }
0x96: {  	s6 =	sld [smem:$0x3FFC];
	_ =	sdelay $0x3  }
0x97: {  	_ =	strace s6  }
0x98: {  	s6 =	sld [smem:$0x3FFD];
	_ =	sdelay $0x3  }
0x99: {  	_ =	strace s6  }
0x9a: {  	_ =	strace $0x8FFFFFFF  }
0x9b: {  	s19 =	sld [smem:$0x3FDB];
	_ =	sdelay $0x1  }
0x9c: {  	s7 =	simm.s32 $_scs_section_size  }
0x9d: {  	s8 =	simm.s32 $_size__tile_overlayer_lowered;
	s9 =	simm.s32 $_tile_overlayer_lowered  }
0x9e: {  	s22 =	simm.s32 $0x1BFF;
	s21 =	sshll.u32 s9, $0x1;
	s6 =	sadd.s32 s7, s19  }
0x9f: {  	s10 =	simm.s32 $0x0;
	s20 =	sshll.u32 s8, $0x1;
	s8 =	sadd.s32 s21, s6  }
0xa0: {  	[timem:s10], [sflag:s22] =	dma.local [hbm:s8], s20  }
0xa1: {  	_ =	swait.ge [sflag:s22], s20  }
0xa2: {  	s7 =	ssub.s32 $0x0, s20;
	[sflag:s22] =	ssyncset.done $0x0  }
0xa3: {  	[sflag:s22] =	ssyncadd.s32 s7;
	_ =	sdelay $0x1  }
0xa4: {  	s23 =	simm.s32 $0x1B8B  }
0xa5: {  	_ =	swait.ge [sflag:s23], $0x1  }
0xa6: {  	[sflag:s23] =	ssyncset.done $0x0  }
0xa7: {  	s25 =	simm.s32 $0x1B8E;
	s24 =	sld [smem:$0x3FFE];
	[sflag:s23] =	ssyncadd.s32 $0xFFFFFFFF  }
0xa8: {  	s26 =	simm.s32 $execute0_lowered;
	[smem:$0x3FD2] =	sst s25  }
0xa9: {  	s8 =	sshll.u32 s26, $0x1;
	_ =	strace $0x80000046;
	[dreg:$0x1] =	wrdreg $0xFFFFFFFF  }
0xaa: {  	s28 =	simm.s32 $_size_execute0_lowered;
	s6 =	sadd.s32 s6, s8;
	[dreg:$0x0] =	wrdreg $0x0  }
0xab: {  	s8 =	sshll.u32 s28, $0x1;
	[dreg:$0x2] =	wrdreg s6  }
0xac: {  	[dreg:$0x3] =	wrdreg s8  }
0xad: {  	[dreg:$0x4] =	wrdreg $0xC0  }
0xae: {  	_ =	task [dreg:s10], $0x5FFFF  }
0xaf: {  	[dreg:$0x1] =	wrdreg $0xFFFFFFFF  }
0xb0: {  	[dreg:$0x0] =	wrdreg $0x60  }
0xb1: {  	[dreg:$0x2] =	wrdreg s2  }
0xb2: {  	[dreg:$0x3] =	wrdreg s18  }
0xb3: {  	[dreg:$0x4] =	wrdreg s4  }
0xb4: {  	[dreg:$0x5] =	wrdreg s5  }
0xb5: {  	[dreg:$0x6] =	wrdreg s24  }
0xb6: {  	[dreg:$0x7] =	wrdreg $0x9  }
0xb7: {  	_ =	task.clear_ibuf [dreg:s10], $0x8FFFF;
	_ =	strace $0x90000046  }
0xb8: {  	s29 =	simm.s32 $0x9;
	_ =	strace $0x80000048  }
0xb9: {  	_ =	swait.ge [sflag:s29], $0x1  }
0xba: {  	[sflag:s29] =	ssyncadd.s32 $0xFFFFFFFF  }
0xbb: {  	_ =	strace $0x90000048  }
0xbc: {  	_ =	sfence  }
0xbd: {  	s30 =	sld [smem:$0x0];
	_ =	sdelay $0x2  }
0xbe: {  	s31 =	sshll.u32 s1, $0xD;
	s1 =	sshrl.u32 s1, $0x2  }
0xbf: {  	s3 =	sand.u32 $0x4000, s31;
	s1 =	sadd.s32 s1, s30  }
0xc0: {  	s0 =	sor.u32 s3, s0;
	s1 =	sshll.u32 s1, $0x11  }
0xc1: {  	s0 =	sor.u32 s1, s0  }
0xc2: {  	s0 =	sadd.s32 $0x8F2B, s0  }
0xc3: {  	[sflag:s0] =	ssyncadd.remote.s32 $0x1  }
0xc4: {  	_ =	sfence.sel $0xFFFF  }
0xc5: {  	[dreg:$0x0] =	wrdreg $0xFFFFFFFF;
	(pc) =	sbr.abs _section_cstart, $3  }
0xc6: {  	[dreg:$0x1] =	wrdreg $0xFFFFFFFF  }
0xc7: {  	_ =	task.clear_ibuf [dreg:s10], $0x2FFFF;
	_ =	strace $0x9FFFFFFF  }
0xc8: {  	(tm) =	ssettm $0x7FFFFFFF  }
0xc9: {  	_ =	shalt  }
tec
execute0_lowered:
.L_overlay_start_1:
0x0: {  	(tag) =	ssettag $0x1  }
0x1: {  	s2 =	rddreg [dreg:$0x1]  }
0x2: {  	s3 =	rddreg [dreg:$0x2]  }
0x3: {  	s5 =	rddreg [dreg:$0x3]  }
0x4: {  	s0 =	srdreg.scid;
	s4 =	stileid.u32  }
0x5: {  	s1 =	rddreg [dreg:$0x4];
	s6 =	simm.s32 $0x0;
	s21 =	simm.s32 $0x3  }
0x6: {  	s22 =	simm.s32 $0x1B700;
	s23 =	simm.s32 $0x19F00;
	s24 =	simm.s32 $0x1A700  }
0x7: {  	s25 =	simm.s32 $0x1AF00;
	s28 =	simm.s32 $0x2;
	s29 =	simm.s32 $0x1B780  }
0x8: {  	s30 =	simm.s32 $0x1B800;
	s0 =	sand.u32 $0x1, s0;
	s4 =	sshll.u32 s4, $0x1  }
0x9: {  	s31 =	simm.s32 $0x0;
	[smem:$0x7FF] =	sst s6;
	s4 =	sor.u32 s0, s4  }
0xa: {  	_ =	strace $0x80000047;
	s0 =	ssub.s32 $0x2, s0;
	s12 =	smul.u32 $0x186A0, s4  }
0xb: {  	v0 =	vimm.s32 $0xEDCBA987;
	v1 =	vimm.s32 $0x65432100;
	s7 =	sshll.u32 s4, $0x4;
	s8 =	sshrl.u32 s0, $0x1;
	p0 =	seq.s32 s4, $0x0  }
0xc: {  	v2 =	vimm.s32 $0xFFEDCBA9;
	v3 =	vimm.s32 $0x87654321;
	v0 =	vunpack.c.l.s4.s8 v0;
	s1 =	sadd.s32 s7, s1;
	s0 =	ssub.s32 s0, s8;
	s26 =	smax.u32 s12, $0x10  }
0xd: {  	v1 =	vunpack.c.l.s4.s8 v1;
	v2 =	vunpack.c.l.s4.s8 v2;
	v3 =	vunpack.c.l.s4.s8 v3;
	s9 =	sshrl.u32 s12, $0x3;
	s11 =	sadd.s32 $0x7D0, s12;
	s12 =	sadd.s32 $0xFA0, s12  }
0xe: {  	v0 =	vunpack.c.0.s8.s32 v0;
	s13 =	sadd.s32 $0x800, s1;
	s14 =	sadd.s32 $0x600, s1;
	s15 =	sadd.s32 $0x400, s1  }
0xf: {  	v1 =	vunpack.c.0.s8.s32 v1;
	v5 =	vunpack.c.0.s8.s32 v2;
	v3 =	vunpack.c.0.s8.s32 v3;
	s16 =	sadd.s32 $0x200, s1;
	s17 =	smax.u32 s0, $0x1;
	s10 =	sadd.s32 $0xFFFFFFF0, s26  }
0x10: {  	vm0 =	vmmov $0x1;
	v2 =	vimm.f32 $0.0e+00;
	v4 =	vand.u32 $0xF, v0;
	s7 =	sadd.s32 s2, s9;
	s8 =	sadd.s32 s3, s9;
	s10 =	sshrl.u32 s10, $0x3  }
0x11: {  	v0 =	vimm.s32 $0xF;
	v3 =	vcombine.low v3, v5;
	s9 =	sadd.s32 s5, s9;
	v1 =	vcombine.low v1, v4;
	s26 =	simm.s32 $0x1;
	s10 =	sadd.s32 s5, s10  }
.LBB2_1:
0x12: {  	s0 =	simm.s32 $0x18700  }
0x13: {  	[tilespmem:s0], [sflag:$0x1] =	stream.linear.gather [hbm4b:s7+s6], $0x7D0, $0x38;
	[tilespmem:$0x1B880] =	vst v63  }
0x14: {  	s18 =	simm.s32 $0x18F00  }
0x15: {  	[tilespmem:s18], [sflag:$0x1] =	stream.linear.gather [hbm4b:s8+s6], $0x7D0, $0x38;
	[tilespmem:$0x1B880] =	vst v63  }
0x16: {  	s19 =	simm.s32 $0x19700  }
0x17: {  	[tilespmem:s19], [sflag:$0x1] =	stream.linear.gather [hbm4b:s9+s6], $0x7D0, $0x38;
	[tilespmem:$0x1B880] =	vst v63  }
0x18: {  	s20 =	rddreg [dreg:$0x0]  }
0x19: {  	[tilespmem:s6], [sflag:$0x3] =	stream.linear.gather [hbm4b:s20+s6], $0x18700, $0x38;
	[tilespmem:$0x1B880] =	vst v63  }
0x1a: {  	_ =	swait.ge [sflag:s21], $0x18700  }
0x1b: {  	[sflag:s21] =	ssyncset.done $0x0  }
0x1c: {  	[sflag:s21] =	ssyncadd.s32 $0xFFFE7900  }
0x1d: {  	[tilespmem:s22], [sflag:$0x3] =	stream.linear.gather [hbm4b:s10+s6], $0x10, $0x38;
	[tilespmem:$0x1B880] =	vst v63  }
0x1e: {  	_ =	swait.ge [sflag:s21], $0x10  }
0x1f: {  	[sflag:s21] =	ssyncset.done $0x0  }
0x20: {  	[sflag:s21] =	ssyncadd.s32 $0xFFFFFFF0  }
0x21: {  	v4 =	vld [tilespmem:$0x1B700];
	_ =	sdelay $0x4  }
0x22: {  	v4 =	vperm.xlane v4, v0;
	_ =	sdelay $0x1  }
0x23: {  	v4 =	vpsel p0, $0xFFFFFFFF, v4  }
0x24: {  	v10 =	vimm.f32 $+Inf;
	v7 =	vimm.f32 $-Inf;
	v5 =	vimm.f32 $+Inf;
	s4 =	simm.s32 $0x0;
	v6 =	vmovc v4  }
.LBB2_2:
0x25: {  	s1 =	smul.u32 $0xFA0, s4;
	_ =	sdelay $0x1  }
0x26: {  	s0 =	sadd.s32 s1, s11  }
0x27: {  	s0 =	sshrl.u32 s0, $0x3  }
0x28: {  	s19 =	simm.s32 $0x0;
	s18 =	sadd.s32 s2, s0  }
0x29: {  	[tilespmem:s23], [sflag:$0x2] =	stream.linear.gather [hbm4b:s18+s19], $0x7D0, $0x38;
	[tilespmem:$0x1B880] =	vst v63  }
0x2a: {  	s20 =	sadd.s32 s3, s0  }
0x2b: {  	[tilespmem:s24], [sflag:$0x2] =	stream.linear.gather [hbm4b:s20+s19], $0x7D0, $0x38;
	[tilespmem:$0x1B880] =	vst v63  }
0x2c: {  	s0 =	sadd.s32 s5, s0  }
0x2d: {  	[tilespmem:s25], [sflag:$0x2] =	stream.linear.gather [hbm4b:s0+s19], $0x7D0, $0x38;
	[tilespmem:$0x1B880] =	vst v63  }
0x2e: {  	_ =	swait.ge [sflag:s26], $0x7D0  }
0x2f: {  	[sflag:s26] =	ssyncset.done $0x0  }
0x30: {  	[sflag:s26] =	ssyncadd.s32 $0xFFFFF830  }
0x31: {  	_ =	swait.ge [sflag:s26], $0x7D0  }
0x32: {  	[sflag:s26] =	ssyncset.done $0x0  }
0x33: {  	[sflag:s26] =	ssyncadd.s32 $0xFFFFF830  }
0x34: {  	_ =	swait.ge [sflag:s26], $0x7D0  }
0x35: {  	[sflag:s26] =	ssyncset.done $0x0  }
0x36: {  	s19 =	simm.s32 $0x0;
	[sflag:s26] =	ssyncadd.s32 $0xFFFFF830  }
0x37: {  	v13 =	vld [tilespmem:s19+$0x19700];
	_ =	sdelay $0x1  }
0x38: {  	v9 =	vld [tilespmem:s19+$0x18700];
	_ =	sdelay $0x2  }
0x39: {  	v8 =	vperm.xlane v13, v1;
	_ =	sdelay $0x1  }
0x3a: {  	v11 =	vsel vm0, v6, v8  }
0x3b: {  	vm1 =	vne.s32 v13, v11  }
0x3c: {  	v8 =	vsel vm1, $0x40000000, v2  }
0x3d: {  	s20 =	simm.s32 $0x10;
	v14 =	vld.idx.msk [tilespmem:v9+s6+$0x0], $0xffff;
	(xrf2) =	vadd.scan.msk.f32 $0xffff, v8  }
0x3e: {  	v8 =	vld [tilespmem:s20+$0x19700];
	_ =	sdelay $0x2  }
0x3f: {  	v15 =	vld [tilespmem:s19+$0x18F00]  }
0x40: {  	v12 =	vperm.xlane v13, v0;
	v11 =	vsub.s32 v13, v11  }
0x41: {  	v16 =	vld [tilespmem:s20+$0x18700];
	vm3 =	vgt.s32 v11, $0x1;
	v17 =	vsub.f32 $1.000000000e+00, v14;
	v11 =	vperm.xlane v8, v1  }
0x42: {  	v9 =	vperm.xlane v13, v3  }
0x43: {  	s0 =	simm.s32 $0x20;
	v11 =	vsel vm0, v12, v11  }
0x44: {  	vm4 =	veq.s32 v15, $0x1;
	vm2 =	veq.s32 v13, v9;
	v9 =	vld [tilespmem:s0+$0x19700];
	vm5 =	vne.s32 v8, v11  }
0x45: {  	v15 =	vsel vm4, v14, v17;
	v14 =	vsel vm5, $0x40000000, v2;
	v17, _, _ =	vpop (xrf2)  }
0x46: {  	(xrf2) =	vadd.scan.msk.f32 $0xffff, v14;
	v20 =	vadd.f32 v17, v15  }
0x47: {  	vm1 =	vmand vm1, vm0  }
0x48: {  	vm3 =	vmmov vm3;
	vm2 =	vmmov vm2;
	v18 =	vperm.xlane v8, v3;
	(xrf0) =	vmax.scan.msk.f32 $0xffff, v20  }
0x49: {  	v19 =	vld.idx.msk [tilespmem:v16+s6+$0x0], $0xffff;
	vm1 =	vmmov vm1;
	vm4 =	vmmov vm2;
	v22 =	vperm.xlane v9, v1  }
0x4a: {  	v21 =	vld [tilespmem:s20+$0x18F00];
	vm6 =	veq.s32 v8, v18;
	v18 =	vperm.xlane v9, v3;
	v11 =	vsub.s32 v8, v11  }
0x4b: {  	vm2 =	vmmov vm6;
	vm7 =	vgt.s32 v11, $0x1;
	v11 =	vperm.xlane v8, v0;
	v20 =	vld [tilespmem:s0+$0x18700]  }
0x4c: {  	s18 =	simm.s32 $0x100;
	s19 =	simm.s32 $0xC0;
	v16 =	vmovc v10;
	vm6 =	vmmov vm3;
	vm5 =	vmand vm5, vm0;
	vm3 =	vmmov vm7  }
.LBB2_3:
0x4d: {  	v14 =	vsel vm0, v11, v22  }
0x4e: {  	p1 =	sne.s32 s18, $0x1F00;
	v22 =	vsub.f32 $1.000000000e+00, v19;
	v23, _, _ =	vpop (xrf0);
	vm7 =	vmmov vm1;
	vm1 =	vmmov vm5  }
0x4f: {  	vm5 =	vne.s32 v9, v14;
	vm8 =	veq.s32 v21, $0x1;
	v21 =	vsub.f32 v23, v17  }
0x50: {  	v14 =	vsub.s32 v9, v14;
	v23 =	vsel vm5, $0x40000000, v2;
	v19 =	vsel vm8, v19, v22;
	v17, _, _ =	vpop (xrf2)  }
0x51: {  	s20 =	sshra.s32 s19, $0x2;
	s19 =	smov.u32 s18;
	vm8 =	veq.s32 v13, v6;
	(xrf2) =	vadd.scan.msk.f32 $0xffff, v23;
	v22 =	vadd.f32 v17, v19;
	v6 =	vmax.f32 v21, v10  }
0x52: {  	v10 =	vmax.f32 v7, v15;
	v15 =	vmovc v19;
	v23 =	vld [tilespmem:s20+$0x19700];
	v6 =	vsel vm8, v6, v21;
	vm8 =	veq.s32 v13, v4  }
0x53: {  	v19 =	vld.idx.msk [tilespmem:v20+s6+$0x0], $0xffff;
	(xrf0) =	vmax.scan.msk.f32 $0xffff, v22;
	v7 =	vsel vm8, v10, v7;
	v20 =	vsel vm4, $0x7F800000, v6;
	v10 =	vperm.xlane v6, v0  }
.Ltmp0:
0x54: {  	vm9 =	vgt.s32 v14, $0x1;
	v13 =	vmovc v8;
	v8 =	vmovc v9;
	vm8 =	veq.s32 v9, v18;
	v14 =	vsel vm6, $0x0, v20;
	(pc) =	sbr.rel @p1 .LBB2_3-.Ltmp0, $4  }
0x55: {  	vm5 =	vmand vm5, vm0;
	v21 =	vld [tilespmem:s0+$0x18F00];
	v18 =	vmin.f32 v14, v16;
	v16 =	vmovc v10;
	v6 =	vmovc v12;
	v12 =	vmov v11;
	s0 =	smov.u32 s20  }
0x56: {  	vm4 =	vmmov vm2;
	vm2 =	vmmov vm8;
	v20 =	vld [tilespmem:s0+$0x18700];
	v14 =	vsel vm7, v18, v14  }
0x57: {  	v11 =	vperm.xlane v8, v0;
	v22 =	vperm.xlane v23, v1;
	v5 =	vmin.f32 v5, v14;
	v9 =	vmovc v23  }
0x58: {  	s18 =	sadd.s32 $0x40, s18;
	vm6 =	vmmov vm3;
	vm3 =	vmmov vm9;
	v18 =	vperm.xlane v9, v3  }
0x59: {  	s18 =	sshra.s32 s19, $0x2  }
0x5a: {  	v14 =	vld [tilespmem:s18+$0x19700];
	_ =	sdelay $0x4  }
0x5b: {  	v25 =	vperm.xlane v9, v0;
	v23 =	vld [tilespmem:s18+$0x18700];
	v24 =	vperm.xlane v14, v1  }
0x5c: {  	v22 =	vsel vm0, v11, v22  }
0x5d: {  	vm8 =	vne.s32 v9, v22;
	v24 =	vsel vm0, v25, v24  }
0x5e: {  	v26 =	vsel vm8, $0x40000000, v2;
	vm7 =	vne.s32 v14, v24  }
0x5f: {  	(xrf2) =	vadd.scan.msk.f32 $0xffff, v26;
	v58 =	vsel vm7, $0x40000000, v2  }
0x60: {  	(xrf2) =	vadd.scan.msk.f32 $0xffff, v58  }
0x61: {  	v59 =	vld [tilespmem:s0+$0x18F00]  }
0x62: {  	v20 =	vld.idx.msk [tilespmem:v20+s6+$0x0], $0xffff  }
0x63: {  	v23 =	vld.idx.msk [tilespmem:v23+s6+$0x0], $0xffff  }
0x64: {  	v27 =	vld [tilespmem:s18+$0x18F00];
	_ =	sdelay $0x1  }
0x65: {  	v28 =	vsub.f32 $1.000000000e+00, v19  }
0x66: {  	vm9 =	veq.s32 v21, $0x1;
	v21 =	vsub.f32 $1.000000000e+00, v20  }
0x67: {  	v29, _, _ =	vpop (xrf2);
	v19 =	vsel vm9, v19, v28;
	vm13 =	veq.s32 v59, $0x1;
	v60 =	vsub.f32 $1.000000000e+00, v23  }
0x68: {  	vm14 =	veq.s32 v27, $0x1;
	v20 =	vsel vm13, v20, v21;
	v21 =	vadd.f32 v29, v19;
	v61, _, _ =	vpop (xrf2)  }
0x69: {  	v23 =	vsel vm14, v23, v60;
	v63, _, _ =	vpop (xrf2)  }
0x6a: {  	(xrf0) =	vmax.scan.msk.f32 $0xffff, v21;
	v62 =	vadd.f32 v61, v20;
	v21 =	vadd.f32 v63, v23  }
0x6b: {  	p1 =	seq.s32 s4, $0x18  }
0x6c: {  	s0 =	sadd.s32 @!p1 s1, s12;
	(xrf0) =	vmax.scan.msk.f32 $0xffff, v62  }
0x6d: {  	s0 =	sshrl.u32 @!p1 s0, $0x3;
	(xrf0) =	vmax.scan.msk.f32 $0xffff, v21  }
0x6e: {  	s18 =	simm.s32 @!p1 $0x0;
	s19 =	simm.s32 @!p1 $0x18700;
	s1 =	sadd.s32 @!p1 s2, s0;
	v21, _, _ =	vpop (xrf0)  }
0x6f: {  	[tilespmem:s19], [sflag:$0x1] =	stream.linear.gather @!p1 [hbm4b:s1+s18], $0x7D0, $0x38;
	v17 =	vsub.f32 v21, v17;
	[tilespmem:$0x1B880] =	vst v63  }
0x70: {  	s1 =	sadd.s32 @!p1 s3, s0;
	s19 =	simm.s32 @!p1 $0x18F00  }
0x71: {  	vm15 =	veq.s32 v13, v6;
	vm10 =	veq.s32 v13, v4;
	[tilespmem:s19], [sflag:$0x1] =	stream.linear.gather @!p1 [hbm4b:s1+s18], $0x7D0, $0x38;
	v6, _, _ =	vpop (xrf0);
	v10 =	vmax.f32 v17, v10;
	[tilespmem:$0x1B880] =	vst v63  }
0x72: {  	v13 =	vmax.f32 v7, v15;
	vm1 =	vmmov vm1;
	s0 =	sadd.s32 @!p1 s5, s0;
	s1 =	simm.s32 @!p1 $0x19700;
	v15, _, _ =	vpop (xrf0);
	v10 =	vsel vm15, v10, v17  }
0x73: {  	vm2 =	vmmov vm2;
	[tilespmem:s1], [sflag:$0x1] =	stream.linear.gather @!p1 [hbm4b:s0+s18], $0x7D0, $0x38;
	v17 =	vsel vm4, $0x7F800000, v10;
	vm4 =	veq.s32 v9, v18;
	v18, _, _ =	vpop (xrf0);
	[tilespmem:$0x1B880] =	vst v63  }
0x74: {  	vm3 =	vmmov vm3;
	v7 =	vsel vm10, v13, v7;
	vm7 =	vmand vm7, vm0;
	_ =	swait.ge [sflag:s28], $0x7D0  }
0x75: {  	v13 =	vsub.s32 v9, v22;
	vm7 =	vmmov vm7;
	v6 =	vsub.f32 v6, v29;
	[sflag:s28] =	ssyncset.done $0x0  }
0x76: {  	v10 =	vperm.xlane v10, v0;
	v17 =	vsel vm6, $0x0, v17;
	vm6 =	vgt.s32 v13, $0x1;
	[sflag:s28] =	ssyncadd.s32 $0xFFFFF830  }
0x77: {  	vm4 =	vmmov vm4;
	v13 =	vmin.f32 v17, v16;
	vm6 =	vmmov vm6;
	_ =	swait.ge [sflag:s28], $0x7D0  }
0x78: {  	v13 =	vsel vm1, v13, v17;
	vm1 =	vmmov vm5;
	vm5 =	vmand vm8, vm0;
	[sflag:s28] =	ssyncset.done $0x0  }
0x79: {  	vm8 =	veq.s32 v8, v12;
	v12 =	vmax.f32 v6, v10;
	v5 =	vmin.f32 v5, v13;
	[sflag:s28] =	ssyncadd.s32 $0xFFFFF830  }
0x7a: {  	v6 =	vsel vm8, v12, v6;
	v12 =	vperm.xlane v14, v3;
	vm1 =	vmmov vm1;
	_ =	swait.ge [sflag:s28], $0x7D0  }
0x7b: {  	vm5 =	vmmov vm5;
	vm8 =	veq.s32 v8, v4;
	v8 =	vmax.f32 v7, v19;
	[sflag:s28] =	ssyncset.done $0x0  }
0x7c: {  	s19 =	simm.s32 $0x0;
	v13 =	vsub.s32 v14, v24;
	v16 =	vsel vm2, $0x7F800000, v6;
	v7 =	vsel vm8, v8, v7;
	[sflag:s28] =	ssyncadd.s32 $0xFFFFF830  }
0x7d: {  	v8 =	vperm.xlane v6, v0;
	vm5 =	vmmov vm5;
	v16 =	vsel vm3, $0x0, v16;
	v6 =	vld [tilespmem:s19+$0x1AF00]  }
0x7e: {  	vm2 =	veq.s32 v14, v12;
	vm3 =	vgt.s32 v13, $0x1;
	v12 =	vperm.xlane v14, v0  }
0x7f: {  	v13 =	vsub.f32 v15, v61;
	v10 =	vmin.f32 v16, v10;
	vm2 =	vmmov vm2  }
0x80: {  	v10 =	vsel vm1, v10, v16;
	vm1 =	vmmov vm4;
	vm4 =	vmmov vm6  }
0x81: {  	vm6 =	veq.s32 v9, v11;
	v10 =	vmin.f32 v5, v10;
	v5 =	vmax.f32 v13, v8  }
0x82: {  	vm3 =	vmmov vm3;
	v11 =	vld [tilespmem:s19+$0x19F00];
	v5 =	vsel vm6, v5, v13;
	v13 =	vperm.xlane v6, v1  }
0x83: {  	vm6 =	veq.s32 v9, v4;
	v9 =	vmax.f32 v7, v20;
	v15 =	vsel vm1, $0x7F800000, v5  }
0x84: {  	v16 =	vperm.xlane v5, v0;
	v5 =	vsub.f32 v18, v63;
	v13 =	vsel vm0, v12, v13  }
0x85: {  	v7 =	vsel vm6, v9, v7;
	v9 =	vsel vm4, $0x0, v15;
	vm1 =	vne.s32 v6, v13  }
0x86: {  	vm4 =	veq.s32 v14, v25;
	v15 =	vmax.f32 v5, v16;
	v17 =	vsel vm1, $0x40000000, v2  }
0x87: {  	s20 =	simm.s32 $0x10;
	vm2 =	vmmov vm2;
	v8 =	vmin.f32 v9, v8;
	v15 =	vsel vm4, v15, v5;
	(xrf2) =	vadd.scan.msk.f32 $0xffff, v17  }
0x88: {  	vm3 =	vmmov vm3;
	v8 =	vsel vm5, v8, v9;
	v5 =	vld [tilespmem:s20+$0x1AF00];
	v9 =	vsel vm2, $0x7F800000, v15  }
0x89: {  	v8 =	vmin.f32 v10, v8;
	vm2 =	vmmov vm7;
	v9 =	vsel vm3, $0x0, v9  }
0x8a: {  	vm3 =	veq.s32 v14, v4;
	v14 =	vmin.f32 v9, v16;
	v10 =	vld.idx.msk [tilespmem:v11+s6+$0x0], $0xffff;
	v11 =	vmax.f32 v7, v23  }
0x8b: {  	v16 =	vld [tilespmem:s19+$0x1A700];
	v11 =	vsel vm3, v11, v7;
	v7 =	vsel vm2, v14, v9  }
0x8c: {  	v17 =	vperm.xlane v6, v3;
	v9 =	vmin.f32 v8, v7  }
0x8d: {  	v18 =	vld [tilespmem:s20+$0x19F00];
	v7 =	vsub.s32 v6, v13;
	v13 =	vperm.xlane v5, v1;
	v8 =	vperm.xlane v6, v0;
	_ =	sdelay $0x1  }
0x8e: {  	vm2 =	veq.s32 v6, v17;
	v13 =	vsel vm0, v8, v13;
	v17 =	vsub.f32 $1.000000000e+00, v10  }
0x8f: {  	vm4 =	veq.s32 v16, $0x1;
	vm5 =	vne.s32 v5, v13  }
0x90: {  	s1 =	simm.s32 $0x20;
	v19 =	vsub.s32 v5, v13;
	v13 =	vsel vm4, v10, v17;
	v10 =	vsel vm5, $0x40000000, v2;
	v16, _, _ =	vpop (xrf2)  }
0x91: {  	vm3 =	vgt.s32 v7, $0x1;
	v7 =	vld [tilespmem:s1+$0x1AF00];
	(xrf2) =	vadd.scan.msk.f32 $0xffff, v10;
	v22 =	vadd.f32 v16, v13  }
0x92: {  	v14 =	vperm.xlane v15, v0;
	vm1 =	vmand vm1, vm0;
	v15 =	vperm.xlane v5, v3  }
0x93: {  	vm1 =	vmmov vm1;
	(xrf0) =	vmax.scan.msk.f32 $0xffff, v22  }
0x94: {  	vm6 =	veq.s32 v5, v15;
	vm3 =	vmmov vm3;
	vm2 =	vmmov vm2;
	v17 =	vld.idx.msk [tilespmem:v18+s6+$0x0], $0xffff  }
0x95: {  	v20 =	vld [tilespmem:s20+$0x1A700];
	vm7 =	vgt.s32 v19, $0x1;
	vm5 =	vmand vm5, vm0;
	vm4 =	vmmov vm2  }
0x96: {  	v19 =	vld [tilespmem:s1+$0x19F00];
	vm2 =	vmmov vm6;
	v21 =	vperm.xlane v7, v1;
	v10 =	vperm.xlane v5, v0  }
0x97: {  	s18 =	simm.s32 $0xC0;
	s0 =	simm.s32 $0x100;
	v15 =	vmovc v14;
	vm6 =	vmmov vm3;
	vm3 =	vmmov vm7;
	v18 =	vperm.xlane v7, v3  }
.LBB2_5:
0x98: {  	v21 =	vsel vm0, v10, v21  }
0x99: {  	p1 =	sne.s32 s0, $0x1F00;
	v22 =	vsub.f32 $1.000000000e+00, v17;
	v23, _, _ =	vpop (xrf0);
	vm7 =	vmmov vm1;
	vm1 =	vmmov vm5  }
0x9a: {  	vm5 =	vne.s32 v7, v21;
	vm8 =	veq.s32 v20, $0x1;
	v20 =	vsub.f32 v23, v16  }
0x9b: {  	v21 =	vsub.s32 v7, v21;
	v23 =	vsel vm5, $0x40000000, v2;
	v17 =	vsel vm8, v17, v22;
	v16, _, _ =	vpop (xrf2)  }
0x9c: {  	s19 =	sshra.s32 s18, $0x2;
	s18 =	smov.u32 s0;
	vm8 =	veq.s32 v6, v12;
	(xrf2) =	vadd.scan.msk.f32 $0xffff, v23;
	v22 =	vadd.f32 v16, v17;
	v12 =	vmax.f32 v20, v14  }
0x9d: {  	v23 =	vld [tilespmem:s19+$0x1AF00];
	v12 =	vsel vm8, v12, v20;
	vm8 =	veq.s32 v6, v4;
	v20 =	vmax.f32 v11, v13;
	v13 =	vmovc v17  }
0x9e: {  	v17 =	vld.idx.msk [tilespmem:v19+s6+$0x0], $0xffff;
	(xrf0) =	vmax.scan.msk.f32 $0xffff, v22;
	v11 =	vsel vm8, v20, v11;
	v19 =	vsel vm4, $0x7F800000, v12;
	v14 =	vperm.xlane v12, v0  }
.Ltmp1:
0x9f: {  	vm9 =	vgt.s32 v21, $0x1;
	v6 =	vmovc v5;
	v5 =	vmovc v7;
	vm8 =	veq.s32 v7, v18;
	v18 =	vsel vm6, $0x0, v19;
	(pc) =	sbr.rel @p1 .LBB2_5-.Ltmp1, $4  }
0xa0: {  	vm5 =	vmand vm5, vm0;
	v20 =	vld [tilespmem:s1+$0x1A700];
	v22 =	vmin.f32 v18, v15;
	v15 =	vmovc v14;
	v12 =	vmovc v8;
	v8 =	vmov v10;
	s1 =	smov.u32 s19  }
0xa1: {  	vm4 =	vmmov vm2;
	vm2 =	vmmov vm8;
	v19 =	vld [tilespmem:s1+$0x19F00];
	v18 =	vsel vm7, v22, v18  }
0xa2: {  	v10 =	vperm.xlane v5, v0;
	v21 =	vperm.xlane v23, v1;
	v9 =	vmin.f32 v9, v18;
	v7 =	vmovc v23  }
0xa3: {  	s0 =	sadd.s32 $0x40, s0;
	vm6 =	vmmov vm3;
	vm3 =	vmmov vm9;
	v18 =	vperm.xlane v7, v3  }
0xa4: {  	s0 =	sshra.s32 s18, $0x2  }
0xa5: {  	v22 =	vld [tilespmem:s0+$0x1AF00];
	_ =	sdelay $0x1  }
0xa6: {  	v21 =	vsel vm0, v10, v21  }
0xa7: {  	vm8 =	vne.s32 v7, v21  }
0xa8: {  	v23 =	vsub.f32 $1.000000000e+00, v17;
	v24 =	vsel vm8, $0x40000000, v2  }
0xa9: {  	v27 =	vperm.xlane v7, v0;
	v40, _, _ =	vpop (xrf0);
	v25 =	vld [tilespmem:s0+$0x19F00];
	vm7 =	veq.s32 v20, $0x1;
	(xrf2) =	vadd.scan.msk.f32 $0xffff, v24;
	v26 =	vperm.xlane v22, v1  }
0xaa: {  	v17 =	vsel vm7, v17, v23;
	v41, _, _ =	vpop (xrf2)  }
0xab: {  	v16 =	vsub.f32 v40, v16;
	v43 =	vadd.f32 v41, v17;
	v42 =	vsel vm0, v27, v26  }
0xac: {  	v45 =	vld.idx.msk [tilespmem:v19+s6+$0x0], $0xffff;
	vm7 =	vne.s32 v22, v42  }
0xad: {  	vm9 =	veq.s32 v6, v12;
	v47 =	vld [tilespmem:s1+$0x1A700];
	v44 =	vmax.f32 v16, v14;
	(xrf0) =	vmax.scan.msk.f32 $0xffff, v43;
	v46 =	vsel vm7, $0x40000000, v2  }
0xae: {  	v12 =	vsel vm9, v44, v16;
	(xrf2) =	vadd.scan.msk.f32 $0xffff, v46  }
0xaf: {  	vm14 =	veq.s32 v6, v4;
	v6 =	vmax.f32 v11, v13;
	v48 =	vsel vm4, $0x7F800000, v12  }
0xb0: {  	v6 =	vsel vm14, v6, v11;
	v11 =	vsel vm6, $0x0, v48  }
0xb1: {  	vm1 =	vmmov vm1;
	v49 =	vmin.f32 v11, v15;
	v51 =	vsub.f32 $1.000000000e+00, v45;
	v50 =	vld.idx.msk [tilespmem:v25+s6+$0x0], $0xffff  }
0xb2: {  	vm15 =	vmmov vm5;
	v52 =	vld [tilespmem:s0+$0x1A700];
	v11 =	vsel vm1, v49, v11;
	vm1 =	veq.s32 v47, $0x1  }
0xb3: {  	vm2 =	vmmov vm2;
	vm3 =	vmmov vm3;
	v13 =	vsel vm1, v45, v51;
	v54, _, _ =	vpop (xrf2)  }
0xb4: {  	vm11 =	veq.s32 v5, v4;
	vm12 =	veq.s32 v7, v18;
	v55, _, _ =	vpop (xrf0);
	v56 =	vadd.f32 v54, v13  }
0xb5: {  	v12 =	vperm.xlane v12, v0;
	v9 =	vmin.f32 v9, v11;
	v11 =	vsub.f32 v55, v41  }
0xb6: {  	v53 =	vsub.s32 v7, v21;
	vm4 =	vmmov vm15;
	v57 =	vsub.f32 $1.000000000e+00, v50;
	(xrf0) =	vmax.scan.msk.f32 $0xffff, v56  }
0xb7: {  	vm15 =	veq.s32 v5, v8;
	vm14 =	veq.s32 v52, $0x1;
	v8 =	vmax.f32 v11, v12  }
0xb8: {  	vm13 =	vgt.s32 v53, $0x1;
	v8 =	vsel vm15, v8, v11;
	v14 =	vsel vm14, v50, v57;
	v59, _, _ =	vpop (xrf2)  }
0xb9: {  	vm8 =	vmand vm8, vm0;
	v11 =	vsel vm2, $0x7F800000, v8;
	v60 =	vadd.f32 v59, v14  }
0xba: {  	vm8 =	vmmov vm8;
	v5 =	vmax.f32 v6, v17;
	v58 =	vperm.xlane v22, v3  }
0xbb: {  	vm6 =	vmmov vm13;
	v5 =	vsel vm11, v5, v6;
	vm13 =	veq.s32 v7, v10;
	(xrf0) =	vmax.scan.msk.f32 $0xffff, v60  }
0xbc: {  	vm6 =	vmmov vm6;
	vm1 =	vmmov vm12;
	v6 =	vsel vm3, $0x0, v11;
	v11, _, _ =	vpop (xrf0)  }
0xbd: {  	v61 =	vsub.s32 v22, v42;
	vm12 =	vmand vm7, vm0;
	v11 =	vsub.f32 v11, v54  }
0xbe: {  	vm1 =	vmmov vm1;
	vm5 =	vmmov vm12;
	v8 =	vperm.xlane v8, v0  }
0xbf: {  	vm15 =	veq.s32 v7, v4;
	v7 =	vmax.f32 v5, v13;
	vm2 =	veq.s32 v22, v58  }
0xc0: {  	vm14 =	vmmov vm8;
	v5 =	vsel vm15, v7, v5;
	v10 =	vmax.f32 v11, v8  }
0xc1: {  	vm3 =	vgt.s32 v61, $0x1;
	vm2 =	vmmov vm2;
	v10 =	vsel vm13, v10, v11;
	v11, _, _ =	vpop (xrf0)  }
0xc2: {  	v12 =	vmin.f32 v6, v12;
	v62 =	vperm.xlane v10, v0;
	v11 =	vsub.f32 v11, v59  }
0xc3: {  	vm3 =	vmmov vm3;
	vm2 =	vmmov vm2;
	v12 =	vsel vm4, v12, v6  }
0xc4: {  	s4 =	sadd.s32 $0x1, s4;
	v10 =	vsel vm1, $0x7F800000, v10;
	vm1 =	veq.s32 v22, v27;
	v63 =	vmax.f32 v11, v62  }
0xc5: {  	p1 =	sne.s32 s4, $0x19;
	v6 =	vperm.xlane v22, v0;
	v10 =	vsel vm6, $0x0, v10;
	v11 =	vsel vm1, v63, v11  }
.Ltmp2:
0xc6: {  	v8 =	vmin.f32 v10, v8;
	vm1 =	vmmov vm3;
	v13 =	vsel vm2, $0x7F800000, v11;
	(pc) =	sbr.rel @p1 .LBB2_2-.Ltmp2, $4  }
0xc7: {  	v9 =	vmin.f32 v9, v12;
	v7 =	vsel vm14, v8, v10;
	v8 =	vsel vm1, $0x0, v13  }
0xc8: {  	v9 =	vmin.f32 v9, v7;
	vm1 =	vmmov vm5;
	v7 =	vmin.f32 v8, v62  }
0xc9: {  	v10 =	vmax.f32 v5, v14;
	vm2 =	veq.s32 v22, v4;
	v8 =	vsel vm1, v7, v8  }
0xca: {  	v7 =	vsel vm2, v10, v5;
	v10 =	vperm.xlane v11, v0;
	v5 =	vmin.f32 v9, v8  }
0xcb: {  	[tilespmem:$0x1B780] =	vst v5  }
0xcc: {  	[hbm4b:s13+s6] =	stream.linear.scatter [tilespmem:s29], [sflag:$0x3], $0x80, $0x38;
	[tilespmem:$0x1B880] =	vst v63  }
0xcd: {  	_ =	swait.ge [sflag:s21], $0x80  }
0xce: {  	[sflag:s21] =	ssyncset.done $0x0  }
0xcf: {  	[sflag:s21] =	ssyncadd.s32 $0xFFFFFF80  }
0xd0: {  	[tilespmem:$0x1B780] =	vst v7  }
0xd1: {  	[hbm4b:s14+s6] =	stream.linear.scatter [tilespmem:s29], [sflag:$0x3], $0x80, $0x38;
	[tilespmem:$0x1B880] =	vst v63  }
0xd2: {  	_ =	swait.ge [sflag:s21], $0x80  }
0xd3: {  	[sflag:s21] =	ssyncset.done $0x0  }
0xd4: {  	[sflag:s21] =	ssyncadd.s32 $0xFFFFFF80  }
0xd5: {  	[tilespmem:$0x1B780] =	vst v10  }
0xd6: {  	[hbm4b:s15+s6] =	stream.linear.scatter [tilespmem:s29], [sflag:$0x3], $0x80, $0x38;
	[tilespmem:$0x1B880] =	vst v63  }
0xd7: {  	_ =	swait.ge [sflag:s21], $0x80  }
0xd8: {  	s31 =	sadd.s32 $0x1, s31;
	[sflag:s21] =	ssyncset.done $0x0  }
0xd9: {  	p1 =	sne.s32 s31, s17;
	[sflag:s21] =	ssyncadd.s32 $0xFFFFFF80  }
.Ltmp3:
0xda: {  	[tilespmem:$0x1B800] =	vst v6;
	(pc) =	sbr.rel @p1 .LBB2_1-.Ltmp3, $4  }
0xdb: {  	[hbm4b:s16+s6] =	stream.linear.scatter [tilespmem:s30], [sflag:$0x3], $0x80, $0x38;
	[tilespmem:$0x1B880] =	vst v63  }
0xdc: {  	_ =	swait.ge [sflag:s21], $0x80  }
0xdd: {  	[sflag:s21] =	ssyncset.done $0x0  }
0xde: {  	[sflag:s21] =	ssyncadd.s32 $0xFFFFFF80  }
0xdf: {  	_ =	sfence.sel $0x180000  }
0xe0: {  	[bflag:$0x0] =	sbarrier.arrive $0xFFFF  }
0xe1: {  	_ =	strace $0x90000047  }
0xe2: {  	s0 =	stileid.u32;
	[bflag:$0x2] =	sbarrier.arrive $0xFFFF  }
0xe3: {  	p0 =	sne.s32 s0, $0x0;
	s0 =	rddreg [dreg:$0x5]  }
0xe4: {  	s0 =	sadd.s32 @!p0 $0x100000, s0  }
0xe5: {  	[sflag:s0] =	ssyncadd.tile.s32 @!p0 $0x1;
	_ =	shalt  }
.Lfunc_end2:
_tile_overlayer_lowered:
.L_overlay_start_2:
0xe6: {  	(tag) =	ssettag $0x2  }
0xe7: {  	s0 =	rddreg [dreg:$0x0];
	s2 =	stileid.u32  }
0xe8: {  	s1 =	rddreg [dreg:$0x1];
	p0 =	sne.s32 s2, $0x0  }
0xe9: {  	s3 =	rddreg [dreg:$0x2];
	[bflag:$0x3] =	sbarrier.arrive $0xFFFF;
	s2 =	simm.s32 @!p0 $0x1C03  }
0xea: {  	[timem:s3], [sflag:s2] =	dma.local @!p0 [hbm:s0], s1  }
0xeb: {  	s0 =	simm.s32 @!p0 $0x3  }
0xec: {  	_ =	swait.ge @!p0 [sflag:s0], s1  }
0xed: {  	s1 =	ssub.s32 @!p0 $0x0, s1;
	[sflag:s0] =	ssyncset.done @!p0 $0x0  }
0xee: {  	[sflag:s0] =	ssyncadd.s32 @!p0 s1  }
0xef: {  	[bflag:$0x3] =	sbarrier.arrive $0xFFFF  }
0xf0: {  	_ =	shalt  }

</sc_bundles>
